<compile_context>
chip_gen: v7x
topology: tpu7x:2x2x1
jax: 0.10.2.dev20260603
libtpu: 0.0.44.dev20260713+nightly
codegen_flags: <defaults>
</compile_context>

<pallas_src>
import functools

import jax
import jax.numpy as jnp
from jax import lax
from jax.experimental import pallas as pl
from jax.experimental.pallas import tpu as pltpu
from jax.experimental.pallas import tpu_sc as plsc

B, S, D = 4, 8192, 768
K = S // 2
NSEG = 8
SEG = S // NSEG
BS = 4096
NW = 32
RPW = B * K // NW
CH = 32
NIDX = 9 * 128
SH_LEN = 2 * K + 16


def _excl_cumsum_seg(x):
    inc = x
    for sh in (1, 2, 4):
        pad = jnp.zeros((B, sh, 1), x.dtype)
        inc = inc + jnp.concatenate([pad, inc[:, :-sh, :]], axis=1)
    return inc - x


def _imp_kernel(x_ref, bits_ref, scal_ref, mask_ref):
    b = pl.program_id(0)
    s = pl.program_id(1)
    x = x_ref[0]
    imp = jnp.sqrt(jnp.sum(x * x, axis=-1))
    bits = lax.bitcast_convert_type(imp, jnp.int32)
    if BS >= SEG:
        for t in range(BS // SEG):
            bits_ref[b, s * (BS // SEG) + t] = bits[t * SEG : (t + 1) * SEG]
    else:
        bits_ref[b, s // (SEG // BS), pl.ds((s % (SEG // BS)) * BS, BS)] = bits

    @pl.when((b == B - 1) & (s == S // BS - 1))
    def _epilogue():
        allb = bits_ref[...]

        def body(_, carry):
            lo, hi = carry
            mid = lo + lax.shift_right_logical(hi - lo, 1)
            cnt = jnp.sum(
                jnp.sum((allb > mid).astype(jnp.int32), axis=2, keepdims=True),
                axis=1,
                keepdims=True,
            )
            big = cnt >= K
            return jnp.where(big, mid + 1, lo), jnp.where(big, hi, mid)

        lo0 = jnp.zeros((B, 1, 1), jnp.int32)
        hi0 = jnp.full((B, 1, 1), jnp.int32(2**31 - 1))
        t, _ = lax.fori_loop(0, 31, body, (lo0, hi0))
        gt = (allb > t).astype(jnp.int32)
        eq = (allb == t).astype(jnp.int32)
        gts = jnp.sum(gt, axis=2, keepdims=True)
        eqs = jnp.sum(eq, axis=2, keepdims=True)
        cg = jnp.sum(gts, axis=1, keepdims=True)
        rem = K - cg
        eqpre = _excl_cumsum_seg(eqs)
        kpeq = jnp.clip(rem - eqpre, 0, eqs)
        kp = gts + kpeq
        kppre = _excl_cumsum_seg(kp)

        ri = lax.broadcasted_iota(jnp.int32, (SEG, SEG), 0)
        ci = lax.broadcasted_iota(jnp.int32, (SEG, SEG), 1)
        ltri = (ri < ci).astype(jnp.float32)
        eqf = eq.astype(jnp.float32).reshape(B * NSEG, SEG)
        ex = lax.dot_general(
            eqf, ltri, (((1,), (0,)), ((), ())), preferred_element_type=jnp.float32
        )
        eqrank = ex.astype(jnp.int32).reshape(B, NSEG, SEG) + eqpre
        mask_ref[...] = (allb > t) | ((eq == 1) & (eqrank < rem))

        li = lax.broadcasted_iota(jnp.int32, (B, NSEG, 4, 16), 2)
        rowbase = lax.broadcasted_iota(jnp.int32, (B, NSEG, 4, 16), 0) * K
        bc = lambda a: jnp.broadcast_to(a[:, :, :, None], (B, NSEG, 4, 16))
        scal = jnp.where(
            li == 0,
            bc(jnp.broadcast_to(t, (B, NSEG, 1))),
            jnp.where(
                li == 1,
                bc(rem - eqpre),
                jnp.where(li == 2, bc(kppre) + rowbase, bc(kp)),
            ),
        )
        scal_ref[...] = scal


def _tc_importance(tokens):
    return pl.pallas_call(
        _imp_kernel,
        grid=(B, S // BS),
        in_specs=[pl.BlockSpec((1, BS, D), lambda b, s: (b, s, 0))],
        out_specs=[
            pl.BlockSpec((B, NSEG, SEG), lambda b, s: (0, 0, 0)),
            pl.BlockSpec((B, NSEG, 4, 16), lambda b, s: (0, 0, 0, 0)),
            pl.BlockSpec((B, NSEG, SEG), lambda b, s: (0, 0, 0)),
        ],
        out_shape=[
            jax.ShapeDtypeStruct((B, NSEG, SEG), jnp.int32),
            jax.ShapeDtypeStruct((B, NSEG, 4, 16), jnp.int32),
            jax.ShapeDtypeStruct((B, NSEG, SEG), jnp.bool_),
        ],
    )(tokens)


def _sc_prune_body(
    tok_hbm,
    bits_hbm,
    scal_hbm,
    out_hbm,
    seg_v,
    scal_v,
    idx_v,
    dst_v,
    idx2_v,
    buf0,
    buf1,
    buf2,
    buf3,
    shidx,
    ssem,
    g0,
    g1,
    g2,
    g3,
    w0,
    w1,
    w2,
    w3,
):
    cid = lax.axis_index("c")
    sid = lax.axis_index("s")
    row = cid * 2 + sid // NSEG
    seg = sid % NSEG
    pltpu.sync_copy(bits_hbm.at[row, seg], seg_v)
    pltpu.sync_copy(scal_hbm.at[row, seg], scal_v)
    lanes = lax.iota(jnp.int32, 16)

    t_spl = scal_v[0]
    rem_spl = scal_v[1]
    loff_spl = scal_v[2] - cid * (2 * K)
    src_base = row * S + seg * SEG
    trash_spl = jnp.full((16,), 2 * K, jnp.int32) + sid

    def chunk_body(c, carry):
        kcnt, eqc = carry
        v = seg_v[pl.ds(c * 16, 16)]
        gt = v > t_spl
        eqm = v == t_spl
        eqi = eqm.astype(jnp.int32)
        cs_eq = plsc.cumsum(eqi)
        eqrank = cs_eq - eqi + eqc
        keep = jnp.logical_or(gt, jnp.logical_and(eqm, eqrank < rem_spl))
        ki = keep.astype(jnp.int32)
        idxs = src_base + c * 16 + lanes
        pos = kcnt + plsc.cumsum(ki) - ki
        plsc.store_scatter(idx_v, [pos], idxs, mask=keep)
        nk = plsc.all_reduce_population_count(keep)
        ne = plsc.all_reduce_population_count(eqm)
        return kcnt + nk, eqc + ne

    zero16 = jnp.zeros((16,), jnp.int32)
    kcnt, _ = lax.fori_loop(0, SEG // 16, chunk_body, (zero16, zero16))

    def dst_body(j, _):
        flat = j * 16 + lanes
        dst_v[j // 8, pl.ds((j % 8) * 16, 16)] = jnp.where(
            flat < kcnt, loff_spl + flat, trash_spl
        )
        return 0

    lax.fori_loop(0, NIDX // 16, dst_body, 0)

    descs = [
        pltpu.async_copy(idx_v.at[pl.ds(j * 128, 128)], shidx.at[dst_v.at[j]], ssem)
        for j in range(NIDX // 128)
    ]
    for d in descs:
        d.wait()

    plsc.subcore_barrier()

    lbase = sid * RPW
    pltpu.sync_copy(shidx.at[pl.ds(lbase, RPW)], idx2_v)
    obase = cid * (2 * K) + lbase

    bufs = (buf0, buf1, buf2, buf3)
    gsems = (g0, g1, g2, g3)
    wsems = (w0, w1, w2, w3)
    nbuf = len(bufs)
    n = RPW // CH

    def gat(i):
        return pltpu.async_copy(
            tok_hbm.at[idx2_v.at[pl.ds(i * CH, CH)]], bufs[i % nbuf], gsems[i % nbuf]
        )

    def wrt(i):
        return pltpu.async_copy(
            bufs[i % nbuf], out_hbm.at[pl.ds(obase + i * CH, CH)], wsems[i % nbuf]
        )

    gd = [None] * n
    wd = [None] * n
    for i in range(min(nbuf, n)):
        gd[i] = gat(i)
    for i in range(n):
        gd[i].wait()
        wd[i] = wrt(i)
        if i + nbuf < n:
            wd[i].wait()
            gd[i + nbuf] = gat(i + nbuf)
    for i in range(max(0, n - nbuf), n):
        wd[i].wait()


@functools.cache
def _build_sc_kernel():
    mesh = plsc.VectorSubcoreMesh(core_axis_name="c", subcore_axis_name="s")
    params = pltpu.CompilerParams(needs_layout_passes=False)
    return pl.kernel(
        _sc_prune_body,
        out_type=jax.ShapeDtypeStruct((B * K, D), jnp.float32),
        mesh=mesh,
        compiler_params=params,
        scratch_types=[
            pltpu.VMEM((SEG,), jnp.int32),
            pltpu.VMEM((4, 16), jnp.int32),
            pltpu.VMEM((NIDX,), jnp.int32),
            pltpu.VMEM((NIDX // 128, 128), jnp.int32),
            pltpu.VMEM((RPW,), jnp.int32),
            pltpu.VMEM((CH, D), jnp.float32),
            pltpu.VMEM((CH, D), jnp.float32),
            pltpu.VMEM((CH, D), jnp.float32),
            pltpu.VMEM((CH, D), jnp.float32),
            pltpu.VMEM_SHARED((SH_LEN,), jnp.int32),
            pltpu.SemaphoreType.DMA,
            pltpu.SemaphoreType.DMA,
            pltpu.SemaphoreType.DMA,
            pltpu.SemaphoreType.DMA,
            pltpu.SemaphoreType.DMA,
            pltpu.SemaphoreType.DMA,
            pltpu.SemaphoreType.DMA,
            pltpu.SemaphoreType.DMA,
            pltpu.SemaphoreType.DMA,
        ],
    )


def kernel(tokens):
    bits, scal, mask = _tc_importance(tokens)
    sc_prune = _build_sc_kernel()
    pruned_flat = sc_prune(tokens.reshape(B * S, D), bits, scal)
    pruned = pruned_flat.reshape(B, K, D)
    keep_mask = mask.reshape(B, S)
    return (pruned, keep_mask)

# --- scband reference (transcript-rebuilt; emitter-appended) ---
"""Pipeline reference for scband-token-pruning-19662360281645 (READ-ONLY COPY).

The authoritative reference and input builder live on the scoring server;
editing this copy changes nothing except your own understanding.
"""

import jax, jax.numpy as jnp
import numpy as np

PRUNING_RATIO = 0.5


def setup_inputs(seed: int = 0) -> dict:
    key = jax.random.key(seed)
    tokens = jax.random.normal(key, (4, 8192, 768), dtype=jnp.float32)
    return {"tokens": tokens}


def reference(tokens):
    batch_size, seq_len, d_model = tokens.shape
    # norm-based importance: L2 norm over feature dim
    importance = jnp.sqrt(jnp.sum(tokens * tokens, axis=-1))  # (B, S)
    num_keep = max(1, int(seq_len * (1.0 - PRUNING_RATIO)))
    _, keep_indices = jax.lax.top_k(importance, num_keep)  # (B, num_keep)
    # build boolean keep mask via scatter-overwrite
    keep_mask = jnp.zeros((batch_size, seq_len), dtype=jnp.bool_)
    keep_mask = keep_mask.at[jnp.arange(batch_size)[:, None], keep_indices].set(True)
    # torch boolean-mask indexing selects kept tokens in ascending index order,
    # equivalent to gathering with sorted keep_indices
    sorted_idx = jnp.sort(keep_indices, axis=1)  # (B, num_keep)
    pruned_tokens = jnp.take_along_axis(tokens, sorted_idx[:, :, None], axis=1)  # (B, num_keep, D)
    return (pruned_tokens, keep_mask)

if __name__ == "__main__":
    import jax
    _d = setup_inputs()
    print(jax.jit(kernel)(*tuple(_d.values())))

</pallas_src>

<mosaic_0001>
#map = affine_map<(d0, d1) -> (0, 0)>
#map1 = affine_map<(d0, d1) -> (0, 0, 0)>
#map2 = affine_map<(d0, d1) -> (0, 0, 0, 0)>
module attributes {stable_mosaic.version = 14 : i64} {
  func.func @_sc_prune_body(%arg0: i32, %arg1: i32, %arg2: memref<32768x768xf32, #tpu.memory_space<hbm>>, %arg3: memref<4x8x1024xi32, #tpu.memory_space<hbm>>, %arg4: memref<4x8x4x16xi32, #tpu.memory_space<hbm>>, %arg5: memref<16384x768xf32, #tpu.memory_space<hbm>>, %arg6: memref<1024xi32, #tpu.memory_space<vmem>>, %arg7: memref<4x16xi32, #tpu.memory_space<vmem>>, %arg8: memref<1152xi32, #tpu.memory_space<vmem>>, %arg9: memref<9x128xi32, #tpu.memory_space<vmem>>, %arg10: memref<512xi32, #tpu.memory_space<vmem>>, %arg11: memref<32x768xf32, #tpu.memory_space<vmem>>, %arg12: memref<32x768xf32, #tpu.memory_space<vmem>>, %arg13: memref<32x768xf32, #tpu.memory_space<vmem>>, %arg14: memref<32x768xf32, #tpu.memory_space<vmem>>, %arg15: memref<8208xi32, #tpu.memory_space<vmem_shared>>, %arg16: memref<!tpu.dma_semaphore, #tpu.memory_space<semaphore_mem>>, %arg17: memref<!tpu.dma_semaphore, #tpu.memory_space<semaphore_mem>>, %arg18: memref<!tpu.dma_semaphore, #tpu.memory_space<semaphore_mem>>, %arg19: memref<!tpu.dma_semaphore, #tpu.memory_space<semaphore_mem>>, %arg20: memref<!tpu.dma_semaphore, #tpu.memory_space<semaphore_mem>>, %arg21: memref<!tpu.dma_semaphore, #tpu.memory_space<semaphore_mem>>, %arg22: memref<!tpu.dma_semaphore, #tpu.memory_space<semaphore_mem>>, %arg23: memref<!tpu.dma_semaphore, #tpu.memory_space<semaphore_mem>>, %arg24: memref<!tpu.dma_semaphore, #tpu.memory_space<semaphore_mem>>) attributes {dimension_semantics = [#tpu.dimension_semantics<core_parallel>, #tpu.dimension_semantics<subcore_parallel>], iteration_bounds = array<i64: 2, 16>, scalar_prefetch = 0 : i64, scratch_operands = 19 : i64, tpu.core_type = #tpu.core_type<sc_vector_subcore>, window_params = [{transform_indices = #map}, {transform_indices = #map1}, {transform_indices = #map2}, {transform_indices = #map}]} {
    %mul3A = arith.constant 2 : i32
    %mul3A_0 = arith.muli %arg0, %mul3A : i32
    %jit3A = arith.constant 8 : i32
    %div3A = arith.divsi %arg1, %jit3A : i32
    %sign3A = arith.constant 0 : i32
    %sign3A_1 = arith.cmpi sgt, %arg1, %sign3A : i32
    %sign3A_2 = arith.extui %sign3A_1 : i1 to i32
    %sign3A_3 = arith.constant 0 : i32
    %sign3A_4 = arith.cmpi slt, %arg1, %sign3A_3 : i32
    %sign3A_5 = arith.extui %sign3A_4 : i1 to i32
    %sign3A_6 = arith.subi %sign3A_2, %sign3A_5 : i32
    %sign3A_7 = arith.constant 0 : i32
    %sign3A_8 = arith.cmpi sgt, %jit3A, %sign3A_7 : i32
    %sign3A_9 = arith.extui %sign3A_8 : i1 to i32
    %sign3A_10 = arith.constant 0 : i32
    %sign3A_11 = arith.cmpi slt, %jit3A, %sign3A_10 : i32
    %sign3A_12 = arith.extui %sign3A_11 : i1 to i32
    %sign3A_13 = arith.subi %sign3A_9, %sign3A_12 : i32
    %ne3A = arith.cmpi ne, %sign3A_6, %sign3A_13 : i32
    %rem3A = arith.remsi %arg1, %jit3A : i32
    %ne3A_14 = arith.constant 0 : i32
    %ne3A_15 = arith.cmpi ne, %rem3A, %ne3A_14 : i32
    %and3A = arith.andi %ne3A, %ne3A_15 : i1
    %sub3A = arith.constant 1 : i32
    %sub3A_16 = arith.subi %div3A, %sub3A : i32
    %select_n3A = arith.select %and3A, %sub3A_16, %div3A : i32
    %add3A = arith.addi %mul3A_0, %select_n3A : i32
    %jit3A_17 = arith.constant 8 : i32
    %eq3A = arith.constant 0 : i32
    %eq3A_18 = arith.cmpi eq, %jit3A_17, %eq3A : i32
    %jit3A_19 = arith.constant 1 : i32
    %select_n3A_20 = arith.select %eq3A_18, %jit3A_19, %jit3A_17 : i32
    %rem3A_21 = arith.remsi %arg1, %select_n3A_20 : i32
    %ne3A_22 = arith.constant 0 : i32
    %ne3A_23 = arith.cmpi ne, %rem3A_21, %ne3A_22 : i32
    %lt3A = arith.constant 0 : i32
    %lt3A_24 = arith.cmpi slt, %rem3A_21, %lt3A : i32
    %lt3A_25 = arith.constant 0 : i32
    %lt3A_26 = arith.cmpi slt, %select_n3A_20, %lt3A_25 : i32
    %ne3A_27 = arith.xori %lt3A_24, %lt3A_26 : i1
    %and3A_28 = arith.andi %ne3A_27, %ne3A_23 : i1
    %add3A_29 = arith.addi %rem3A_21, %select_n3A_20 : i32
    %select_n3A_30 = arith.select %and3A_28, %add3A_29, %rem3A_21 : i32
    "tpu.region"() ({
      %run_scoped3A = tpu.sem_alloc : memref<!tpu.dma_semaphore, #tpu.memory_space<semaphore_mem>>
      %dma_start3A_535 = arith.constant 0 : i32
      %dma_start3A_536 = tpu.memref_slice %arg3[%add3A, %select_n3A_30, %dma_start3A_535] : memref<4x8x1024xi32, #tpu.memory_space<hbm>> -> memref<1x1x1024xi32, #tpu.memory_space<hbm>>
      %dma_start3A_537 = tpu.memref_squeeze %dma_start3A_536 : memref<1x1x1024xi32, #tpu.memory_space<hbm>> -> memref<1024xi32, #tpu.memory_space<hbm>>
      %dma_start3A_538 = arith.constant 0 : i32
      %dma_start3A_539 = tpu.memref_slice %arg3[%add3A, %select_n3A_30, %dma_start3A_538] : memref<4x8x1024xi32, #tpu.memory_space<hbm>> -> memref<1x1x1024xi32, #tpu.memory_space<hbm>>
      %dma_start3A_540 = tpu.memref_squeeze %dma_start3A_539 : memref<1x1x1024xi32, #tpu.memory_space<hbm>> -> memref<1024xi32, #tpu.memory_space<hbm>>
      tpu.enqueue_dma source(%dma_start3A_540 : memref<1024xi32, #tpu.memory_space<hbm>>) target(%arg6 : memref<1024xi32, #tpu.memory_space<vmem>>) target_semaphore(%run_scoped3A : memref<!tpu.dma_semaphore, #tpu.memory_space<semaphore_mem>>)
      %dma_wait3A_541 = arith.constant 0 : i32
      %dma_wait3A_542 = tpu.memref_slice %arg3[%add3A, %select_n3A_30, %dma_wait3A_541] : memref<4x8x1024xi32, #tpu.memory_space<hbm>> -> memref<1x1x1024xi32, #tpu.memory_space<hbm>>
      %dma_wait3A_543 = tpu.memref_squeeze %dma_wait3A_542 : memref<1x1x1024xi32, #tpu.memory_space<hbm>> -> memref<1024xi32, #tpu.memory_space<hbm>>
      %dma_wait3A_544 = arith.constant 0 : i32
      %dma_wait3A_545 = tpu.memref_slice %arg3[%add3A, %select_n3A_30, %dma_wait3A_544] : memref<4x8x1024xi32, #tpu.memory_space<hbm>> -> memref<1x1x1024xi32, #tpu.memory_space<hbm>>
      %dma_wait3A_546 = tpu.memref_squeeze %dma_wait3A_545 : memref<1x1x1024xi32, #tpu.memory_space<hbm>> -> memref<1024xi32, #tpu.memory_space<hbm>>
      tpu.wait_dma2 semaphore(%run_scoped3A : memref<!tpu.dma_semaphore, #tpu.memory_space<semaphore_mem>>) src(%dma_wait3A_546 : memref<1024xi32, #tpu.memory_space<hbm>>) dst(%arg6 : memref<1024xi32, #tpu.memory_space<vmem>>)
      tpu.yield
    }) : () -> ()
    "tpu.region"() ({
      %run_scoped3A = tpu.sem_alloc : memref<!tpu.dma_semaphore, #tpu.memory_space<semaphore_mem>>
      %dma_start3A_535 = arith.constant 0 : i32
      %dma_start3A_536 = arith.constant 0 : i32
      %dma_start3A_537 = tpu.memref_slice %arg4[%add3A, %select_n3A_30, %dma_start3A_535, %dma_start3A_536] : memref<4x8x4x16xi32, #tpu.memory_space<hbm>> -> memref<1x1x4x16xi32, #tpu.memory_space<hbm>>
      %dma_start3A_538 = tpu.memref_squeeze %dma_start3A_537 : memref<1x1x4x16xi32, #tpu.memory_space<hbm>> -> memref<4x16xi32, #tpu.memory_space<hbm>>
      %dma_start3A_539 = arith.constant 0 : i32
      %dma_start3A_540 = arith.constant 0 : i32
      %dma_start3A_541 = tpu.memref_slice %arg4[%add3A, %select_n3A_30, %dma_start3A_539, %dma_start3A_540] : memref<4x8x4x16xi32, #tpu.memory_space<hbm>> -> memref<1x1x4x16xi32, #tpu.memory_space<hbm>>
      %dma_start3A_542 = tpu.memref_squeeze %dma_start3A_541 : memref<1x1x4x16xi32, #tpu.memory_space<hbm>> -> memref<4x16xi32, #tpu.memory_space<hbm>>
      tpu.enqueue_dma source(%dma_start3A_542 : memref<4x16xi32, #tpu.memory_space<hbm>>) target(%arg7 : memref<4x16xi32, #tpu.memory_space<vmem>>) target_semaphore(%run_scoped3A : memref<!tpu.dma_semaphore, #tpu.memory_space<semaphore_mem>>)
      %dma_wait3A_543 = arith.constant 0 : i32
      %dma_wait3A_544 = arith.constant 0 : i32
      %dma_wait3A_545 = tpu.memref_slice %arg4[%add3A, %select_n3A_30, %dma_wait3A_543, %dma_wait3A_544] : memref<4x8x4x16xi32, #tpu.memory_space<hbm>> -> memref<1x1x4x16xi32, #tpu.memory_space<hbm>>
      %dma_wait3A_546 = tpu.memref_squeeze %dma_wait3A_545 : memref<1x1x4x16xi32, #tpu.memory_space<hbm>> -> memref<4x16xi32, #tpu.memory_space<hbm>>
      %dma_wait3A_547 = arith.constant 0 : i32
      %dma_wait3A_548 = arith.constant 0 : i32
      %dma_wait3A_549 = tpu.memref_slice %arg4[%add3A, %select_n3A_30, %dma_wait3A_547, %dma_wait3A_548] : memref<4x8x4x16xi32, #tpu.memory_space<hbm>> -> memref<1x1x4x16xi32, #tpu.memory_space<hbm>>
      %dma_wait3A_550 = tpu.memref_squeeze %dma_wait3A_549 : memref<1x1x4x16xi32, #tpu.memory_space<hbm>> -> memref<4x16xi32, #tpu.memory_space<hbm>>
      tpu.wait_dma2 semaphore(%run_scoped3A : memref<!tpu.dma_semaphore, #tpu.memory_space<semaphore_mem>>) src(%dma_wait3A_550 : memref<4x16xi32, #tpu.memory_space<hbm>>) dst(%arg7 : memref<4x16xi32, #tpu.memory_space<vmem>>)
      tpu.yield
    }) : () -> ()
    %iota3A = tpu.iota {dimensions = array<i32: 0>} : vector<16xi32>
    %get3A = arith.constant 0 : i32
    %get3A_31 = arith.index_cast %get3A : i32 to index
    %get3A_32 = arith.constant 0 : index
    %get3A_33 = tpu.vector_load %arg7[%get3A_31, %get3A_32] {strides = array<i32>} : memref<4x16xi32, #tpu.memory_space<vmem>>, vector<16xi32>,
    %get3A_34 = arith.constant 1 : i32
    %get3A_35 = arith.index_cast %get3A_34 : i32 to index
    %get3A_36 = arith.constant 0 : index
    %get3A_37 = tpu.vector_load %arg7[%get3A_35, %get3A_36] {strides = array<i32>} : memref<4x16xi32, #tpu.memory_space<vmem>>, vector<16xi32>,
    %get3A_38 = arith.constant 2 : i32
    %get3A_39 = arith.index_cast %get3A_38 : i32 to index
    %get3A_40 = arith.constant 0 : index
    %get3A_41 = tpu.vector_load %arg7[%get3A_39, %get3A_40] {strides = array<i32>} : memref<4x16xi32, #tpu.memory_space<vmem>>, vector<16xi32>,
    %mul3A_42 = arith.constant 8192 : i32
    %mul3A_43 = arith.muli %arg0, %mul3A_42 : i32
    %sub3A_44 = vector.broadcast %mul3A_43 : i32 to vector<16xi32>
    %sub3A_45 = arith.subi %get3A_41, %sub3A_44 : vector<16xi32>
    %mul3A_46 = arith.constant 8192 : i32
    %mul3A_47 = arith.muli %add3A, %mul3A_46 : i32
    %mul3A_48 = arith.constant 1024 : i32
    %mul3A_49 = arith.muli %select_n3A_30, %mul3A_48 : i32
    %add3A_50 = arith.addi %mul3A_47, %mul3A_49 : i32
    %broadcast_in_dim3A = arith.constant 8192 : i32
    %broadcast_in_dim3A_51 = vector.broadcast %broadcast_in_dim3A : i32 to vector<16xi32>
    %add3A_52 = vector.broadcast %arg1 : i32 to vector<16xi32>
    %add3A_53 = arith.addi %broadcast_in_dim3A_51, %add3A_52 : vector<16xi32>
    %broadcast_in_dim3A_54 = arith.constant 0 : i32
    %broadcast_in_dim3A_55 = vector.broadcast %broadcast_in_dim3A_54 : i32 to vector<16xi32>
    %scan3A = arith.constant 0 : i32
    %scan3A_56 = arith.constant 64 : i32
    %scan3A_57 = arith.addi %scan3A, %scan3A_56 : i32
    %scan3A_58 = arith.constant 1 : i32
    %scan3A_59:2 = scf.for %scan3A_535 = %scan3A to %scan3A_57 step %scan3A_58 iter_args(%scan3A_536 = %broadcast_in_dim3A_55, %scan3A_537 = %broadcast_in_dim3A_55) -> (vector<16xi32>, vector<16xi32>)  : i32 {
      %mul3A_538 = arith.constant 16 : i32
      %mul3A_539 = arith.muli %scan3A_535, %mul3A_538 : i32
      %get3A_540 = arith.index_cast %mul3A_539 : i32 to index
      %get3A_541 = tpu.vector_load %arg6[%get3A_540] {strides = array<i32>} : memref<1024xi32, #tpu.memory_space<vmem>>, vector<16xi32>,
      %gt3A = arith.cmpi sgt, %get3A_541, %get3A_33 : vector<16xi32>
      %eq3A_542 = arith.cmpi eq, %get3A_541, %get3A_33 : vector<16xi32>
      %convert_element_type3A = arith.extui %eq3A_542 : vector<16xi1> to vector<16xi32>
      %broadcast_in_dim3A_543 = arith.constant true
      %broadcast_in_dim3A_544 = vector.broadcast %broadcast_in_dim3A_543 : i1 to vector<16xi1>
      %masked_cumsum3A = tpu.scan <sum>, %convert_element_type3A masked %broadcast_in_dim3A_544 : vector<16xi32>, vector<16xi1> -> vector<16xi32>
      %sub3A_545 = arith.subi %masked_cumsum3A, %convert_element_type3A : vector<16xi32>
      %add3A_546 = arith.addi %sub3A_545, %scan3A_537 : vector<16xi32>
      %lt3A_547 = arith.cmpi slt, %add3A_546, %get3A_37 : vector<16xi32>
      %and3A_548 = arith.andi %eq3A_542, %lt3A_547 : vector<16xi1>
      %or3A = arith.ori %gt3A, %and3A_548 : vector<16xi1>
      %convert_element_type3A_549 = arith.extui %or3A : vector<16xi1> to vector<16xi32>
      %mul3A_550 = arith.constant 16 : i32
      %mul3A_551 = arith.muli %scan3A_535, %mul3A_550 : i32
      %add3A_552 = arith.addi %add3A_50, %mul3A_551 : i32
      %add3A_553 = vector.broadcast %add3A_552 : i32 to vector<16xi32>
      %add3A_554 = arith.addi %add3A_553, %iota3A : vector<16xi32>
      %broadcast_in_dim3A_555 = arith.constant true
      %broadcast_in_dim3A_556 = vector.broadcast %broadcast_in_dim3A_555 : i1 to vector<16xi1>
      %masked_cumsum3A_557 = tpu.scan <sum>, %convert_element_type3A_549 masked %broadcast_in_dim3A_556 : vector<16xi32>, vector<16xi1> -> vector<16xi32>
      %add3A_558 = arith.addi %scan3A_536, %masked_cumsum3A_557 : vector<16xi32>
      %sub3A_559 = arith.subi %add3A_558, %convert_element_type3A_549 : vector<16xi32>
      tpu.vector_store_idx %arg8[%sub3A_559], %add3A_554 masked %or3A : memref<1152xi32, #tpu.memory_space<vmem>>[vector<16xi32>], vector<16xi32>, vector<16xi1>
      %all_reduce_population_count3A = tpu.all_reduce %or3A {dim = 0 : i64, kind = #tpu.reduction_kind<sum>} : vector<16xi1> -> vector<16xi32>
      %all_reduce_population_count3A_560 = tpu.all_reduce %eq3A_542 {dim = 0 : i64, kind = #tpu.reduction_kind<sum>} : vector<16xi1> -> vector<16xi32>
      %add3A_561 = arith.addi %scan3A_536, %all_reduce_population_count3A : vector<16xi32>
      %add3A_562 = arith.addi %scan3A_537, %all_reduce_population_count3A_560 : vector<16xi32>
      scf.yield %add3A_561, %add3A_562 : vector<16xi32>, vector<16xi32>
    }
    %scan3A_60 = arith.constant 64 : i32
    %scan3A_61 = arith.constant 0 : i32
    %scan3A_62 = arith.constant 0 : i32
    %scan3A_63 = arith.constant 72 : i32
    %scan3A_64 = arith.addi %scan3A_62, %scan3A_63 : i32
    %scan3A_65 = arith.constant 1 : i32
    %scan3A_66 = scf.for %scan3A_535 = %scan3A_62 to %scan3A_64 step %scan3A_65 iter_args(%scan3A_536 = %scan3A_61) -> (i32)  : i32 {
      %mul3A_537 = arith.constant 16 : i32
      %mul3A_538 = arith.muli %scan3A_535, %mul3A_537 : i32
      %add3A_539 = vector.broadcast %mul3A_538 : i32 to vector<16xi32>
      %add3A_540 = arith.addi %add3A_539, %iota3A : vector<16xi32>
      %lt3A_541 = arith.cmpi slt, %add3A_540, %scan3A_59#0 : vector<16xi32>
      %add3A_542 = arith.addi %sub3A_45, %add3A_540 : vector<16xi32>
      %select_n3A_543 = arith.select %lt3A_541, %add3A_542, %add3A_53 : vector<16xi1>, vector<16xi32>
      %jit3A_544 = arith.constant 8 : i32
      %div3A_545 = arith.divsi %scan3A_535, %jit3A_544 : i32
      %sign3A_546 = arith.constant 0 : i32
      %sign3A_547 = arith.cmpi sgt, %scan3A_535, %sign3A_546 : i32
      %sign3A_548 = arith.extui %sign3A_547 : i1 to i32
      %sign3A_549 = arith.constant 0 : i32
      %sign3A_550 = arith.cmpi slt, %scan3A_535, %sign3A_549 : i32
      %sign3A_551 = arith.extui %sign3A_550 : i1 to i32
      %sign3A_552 = arith.subi %sign3A_548, %sign3A_551 : i32
      %sign3A_553 = arith.constant 0 : i32
      %sign3A_554 = arith.cmpi sgt, %jit3A_544, %sign3A_553 : i32
      %sign3A_555 = arith.extui %sign3A_554 : i1 to i32
      %sign3A_556 = arith.constant 0 : i32
      %sign3A_557 = arith.cmpi slt, %jit3A_544, %sign3A_556 : i32
      %sign3A_558 = arith.extui %sign3A_557 : i1 to i32
      %sign3A_559 = arith.subi %sign3A_555, %sign3A_558 : i32
      %ne3A_560 = arith.cmpi ne, %sign3A_552, %sign3A_559 : i32
      %rem3A_561 = arith.remsi %scan3A_535, %jit3A_544 : i32
      %ne3A_562 = arith.constant 0 : i32
      %ne3A_563 = arith.cmpi ne, %rem3A_561, %ne3A_562 : i32
      %and3A_564 = arith.andi %ne3A_560, %ne3A_563 : i1
      %sub3A_565 = arith.constant 1 : i32
      %sub3A_566 = arith.subi %div3A_545, %sub3A_565 : i32
      %select_n3A_567 = arith.select %and3A_564, %sub3A_566, %div3A_545 : i32
      %jit3A_568 = arith.constant 8 : i32
      %eq3A_569 = arith.constant 0 : i32
      %eq3A_570 = arith.cmpi eq, %jit3A_568, %eq3A_569 : i32
      %jit3A_571 = arith.constant 1 : i32
      %select_n3A_572 = arith.select %eq3A_570, %jit3A_571, %jit3A_568 : i32
      %rem3A_573 = arith.remsi %scan3A_535, %select_n3A_572 : i32
      %ne3A_574 = arith.constant 0 : i32
      %ne3A_575 = arith.cmpi ne, %rem3A_573, %ne3A_574 : i32
      %lt3A_576 = arith.constant 0 : i32
      %lt3A_577 = arith.cmpi slt, %rem3A_573, %lt3A_576 : i32
      %lt3A_578 = arith.constant 0 : i32
      %lt3A_579 = arith.cmpi slt, %select_n3A_572, %lt3A_578 : i32
      %ne3A_580 = arith.xori %lt3A_577, %lt3A_579 : i1
      %and3A_581 = arith.andi %ne3A_580, %ne3A_575 : i1
      %add3A_582 = arith.addi %rem3A_573, %select_n3A_572 : i32
      %select_n3A_583 = arith.select %and3A_581, %add3A_582, %rem3A_573 : i32
      %mul3A_584 = arith.constant 16 : i32
      %mul3A_585 = arith.muli %select_n3A_583, %mul3A_584 : i32
      %swap3A = arith.index_cast %select_n3A_567 : i32 to index
      %swap3A_586 = arith.index_cast %mul3A_585 : i32 to index
      %swap3A_587 = tpu.vector_load %arg9[%swap3A, %swap3A_586] {strides = array<i32>} : memref<9x128xi32, #tpu.memory_space<vmem>>, vector<16xi32>,
      tpu.vector_store %arg9[%swap3A, %swap3A_586], %select_n3A_543 {strides = array<i32>} : memref<9x128xi32, #tpu.memory_space<vmem>>, vector<16xi32>,
      %scan3A_588 = arith.constant 0 : i32
      scf.yield %scan3A_588 : i32
    }
    %scan3A_67 = arith.constant 72 : i32
    %dma_start3A = arith.constant 0 : i32
    %dma_start3A_68 = arith.constant 0 : i32
    %dma_start3A_69 = tpu.memref_slice %arg8[%dma_start3A_68] : memref<1152xi32, #tpu.memory_space<vmem>> -> memref<128xi32, #tpu.memory_space<vmem>>
    %dma_start3A_70 = arith.constant 0 : i32
    %dma_start3A_71 = tpu.memref_slice %arg9[%dma_start3A, %dma_start3A_70] : memref<9x128xi32, #tpu.memory_space<vmem>> -> memref<1x128xi32, #tpu.memory_space<vmem>>
    %dma_start3A_72 = tpu.memref_squeeze %dma_start3A_71 : memref<1x128xi32, #tpu.memory_space<vmem>> -> memref<128xi32, #tpu.memory_space<vmem>>
    %dma_start3A_73 = arith.constant 0 : i32
    %dma_start3A_74 = tpu.memref_slice %arg15[%dma_start3A_73] : memref<8208xi32, #tpu.memory_space<vmem_shared>> -> memref<8208xi32, #tpu.memory_space<vmem_shared>>
    tpu.enqueue_indirect_dma source(%dma_start3A_69 : memref<128xi32, #tpu.memory_space<vmem>>) target(%dma_start3A_74 : memref<8208xi32, #tpu.memory_space<vmem_shared>>) offsets(%dma_start3A_72 : memref<128xi32, #tpu.memory_space<vmem>>) semaphore(%arg16 : memref<!tpu.dma_semaphore, #tpu.memory_space<semaphore_mem>>)
    %dma_start3A_75 = arith.constant 1 : i32
    %dma_start3A_76 = arith.constant 128 : i32
    %dma_start3A_77 = tpu.memref_slice %arg8[%dma_start3A_76] : memref<1152xi32, #tpu.memory_space<vmem>> -> memref<128xi32, #tpu.memory_space<vmem>>
    %dma_start3A_78 = arith.constant 0 : i32
    %dma_start3A_79 = tpu.memref_slice %arg9[%dma_start3A_75, %dma_start3A_78] : memref<9x128xi32, #tpu.memory_space<vmem>> -> memref<1x128xi32, #tpu.memory_space<vmem>>
    %dma_start3A_80 = tpu.memref_squeeze %dma_start3A_79 : memref<1x128xi32, #tpu.memory_space<vmem>> -> memref<128xi32, #tpu.memory_space<vmem>>
    %dma_start3A_81 = arith.constant 0 : i32
    %dma_start3A_82 = tpu.memref_slice %arg15[%dma_start3A_81] : memref<8208xi32, #tpu.memory_space<vmem_shared>> -> memref<8208xi32, #tpu.memory_space<vmem_shared>>
    tpu.enqueue_indirect_dma source(%dma_start3A_77 : memref<128xi32, #tpu.memory_space<vmem>>) target(%dma_start3A_82 : memref<8208xi32, #tpu.memory_space<vmem_shared>>) offsets(%dma_start3A_80 : memref<128xi32, #tpu.memory_space<vmem>>) semaphore(%arg16 : memref<!tpu.dma_semaphore, #tpu.memory_space<semaphore_mem>>)
    %dma_start3A_83 = arith.constant 2 : i32
    %dma_start3A_84 = arith.constant 256 : i32
    %dma_start3A_85 = tpu.memref_slice %arg8[%dma_start3A_84] : memref<1152xi32, #tpu.memory_space<vmem>> -> memref<128xi32, #tpu.memory_space<vmem>>
    %dma_start3A_86 = arith.constant 0 : i32
    %dma_start3A_87 = tpu.memref_slice %arg9[%dma_start3A_83, %dma_start3A_86] : memref<9x128xi32, #tpu.memory_space<vmem>> -> memref<1x128xi32, #tpu.memory_space<vmem>>
    %dma_start3A_88 = tpu.memref_squeeze %dma_start3A_87 : memref<1x128xi32, #tpu.memory_space<vmem>> -> memref<128xi32, #tpu.memory_space<vmem>>
    %dma_start3A_89 = arith.constant 0 : i32
    %dma_start3A_90 = tpu.memref_slice %arg15[%dma_start3A_89] : memref<8208xi32, #tpu.memory_space<vmem_shared>> -> memref<8208xi32, #tpu.memory_space<vmem_shared>>
    tpu.enqueue_indirect_dma source(%dma_start3A_85 : memref<128xi32, #tpu.memory_space<vmem>>) target(%dma_start3A_90 : memref<8208xi32, #tpu.memory_space<vmem_shared>>) offsets(%dma_start3A_88 : memref<128xi32, #tpu.memory_space<vmem>>) semaphore(%arg16 : memref<!tpu.dma_semaphore, #tpu.memory_space<semaphore_mem>>)
    %dma_start3A_91 = arith.constant 3 : i32
    %dma_start3A_92 = arith.constant 384 : i32
    %dma_start3A_93 = tpu.memref_slice %arg8[%dma_start3A_92] : memref<1152xi32, #tpu.memory_space<vmem>> -> memref<128xi32, #tpu.memory_space<vmem>>
    %dma_start3A_94 = arith.constant 0 : i32
    %dma_start3A_95 = tpu.memref_slice %arg9[%dma_start3A_91, %dma_start3A_94] : memref<9x128xi32, #tpu.memory_space<vmem>> -> memref<1x128xi32, #tpu.memory_space<vmem>>
    %dma_start3A_96 = tpu.memref_squeeze %dma_start3A_95 : memref<1x128xi32, #tpu.memory_space<vmem>> -> memref<128xi32, #tpu.memory_space<vmem>>
    %dma_start3A_97 = arith.constant 0 : i32
    %dma_start3A_98 = tpu.memref_slice %arg15[%dma_start3A_97] : memref<8208xi32, #tpu.memory_space<vmem_shared>> -> memref<8208xi32, #tpu.memory_space<vmem_shared>>
    tpu.enqueue_indirect_dma source(%dma_start3A_93 : memref<128xi32, #tpu.memory_space<vmem>>) target(%dma_start3A_98 : memref<8208xi32, #tpu.memory_space<vmem_shared>>) offsets(%dma_start3A_96 : memref<128xi32, #tpu.memory_space<vmem>>) semaphore(%arg16 : memref<!tpu.dma_semaphore, #tpu.memory_space<semaphore_mem>>)
    %dma_start3A_99 = arith.constant 4 : i32
    %dma_start3A_100 = arith.constant 512 : i32
    %dma_start3A_101 = tpu.memref_slice %arg8[%dma_start3A_100] : memref<1152xi32, #tpu.memory_space<vmem>> -> memref<128xi32, #tpu.memory_space<vmem>>
    %dma_start3A_102 = arith.constant 0 : i32
    %dma_start3A_103 = tpu.memref_slice %arg9[%dma_start3A_99, %dma_start3A_102] : memref<9x128xi32, #tpu.memory_space<vmem>> -> memref<1x128xi32, #tpu.memory_space<vmem>>
    %dma_start3A_104 = tpu.memref_squeeze %dma_start3A_103 : memref<1x128xi32, #tpu.memory_space<vmem>> -> memref<128xi32, #tpu.memory_space<vmem>>
    %dma_start3A_105 = arith.constant 0 : i32
    %dma_start3A_106 = tpu.memref_slice %arg15[%dma_start3A_105] : memref<8208xi32, #tpu.memory_space<vmem_shared>> -> memref<8208xi32, #tpu.memory_space<vmem_shared>>
    tpu.enqueue_indirect_dma source(%dma_start3A_101 : memref<128xi32, #tpu.memory_space<vmem>>) target(%dma_start3A_106 : memref<8208xi32, #tpu.memory_space<vmem_shared>>) offsets(%dma_start3A_104 : memref<128xi32, #tpu.memory_space<vmem>>) semaphore(%arg16 : memref<!tpu.dma_semaphore, #tpu.memory_space<semaphore_mem>>)
    %dma_start3A_107 = arith.constant 5 : i32
    %dma_start3A_108 = arith.constant 640 : i32
    %dma_start3A_109 = tpu.memref_slice %arg8[%dma_start3A_108] : memref<1152xi32, #tpu.memory_space<vmem>> -> memref<128xi32, #tpu.memory_space<vmem>>
    %dma_start3A_110 = arith.constant 0 : i32
    %dma_start3A_111 = tpu.memref_slice %arg9[%dma_start3A_107, %dma_start3A_110] : memref<9x128xi32, #tpu.memory_space<vmem>> -> memref<1x128xi32, #tpu.memory_space<vmem>>
    %dma_start3A_112 = tpu.memref_squeeze %dma_start3A_111 : memref<1x128xi32, #tpu.memory_space<vmem>> -> memref<128xi32, #tpu.memory_space<vmem>>
    %dma_start3A_113 = arith.constant 0 : i32
    %dma_start3A_114 = tpu.memref_slice %arg15[%dma_start3A_113] : memref<8208xi32, #tpu.memory_space<vmem_shared>> -> memref<8208xi32, #tpu.memory_space<vmem_shared>>
    tpu.enqueue_indirect_dma source(%dma_start3A_109 : memref<128xi32, #tpu.memory_space<vmem>>) target(%dma_start3A_114 : memref<8208xi32, #tpu.memory_space<vmem_shared>>) offsets(%dma_start3A_112 : memref<128xi32, #tpu.memory_space<vmem>>) semaphore(%arg16 : memref<!tpu.dma_semaphore, #tpu.memory_space<semaphore_mem>>)
    %dma_start3A_115 = arith.constant 6 : i32
    %dma_start3A_116 = arith.constant 768 : i32
    %dma_start3A_117 = tpu.memref_slice %arg8[%dma_start3A_116] : memref<1152xi32, #tpu.memory_space<vmem>> -> memref<128xi32, #tpu.memory_space<vmem>>
    %dma_start3A_118 = arith.constant 0 : i32
    %dma_start3A_119 = tpu.memref_slice %arg9[%dma_start3A_115, %dma_start3A_118] : memref<9x128xi32, #tpu.memory_space<vmem>> -> memref<1x128xi32, #tpu.memory_space<vmem>>
    %dma_start3A_120 = tpu.memref_squeeze %dma_start3A_119 : memref<1x128xi32, #tpu.memory_space<vmem>> -> memref<128xi32, #tpu.memory_space<vmem>>
    %dma_start3A_121 = arith.constant 0 : i32
    %dma_start3A_122 = tpu.memref_slice %arg15[%dma_start3A_121] : memref<8208xi32, #tpu.memory_space<vmem_shared>> -> memref<8208xi32, #tpu.memory_space<vmem_shared>>
    tpu.enqueue_indirect_dma source(%dma_start3A_117 : memref<128xi32, #tpu.memory_space<vmem>>) target(%dma_start3A_122 : memref<8208xi32, #tpu.memory_space<vmem_shared>>) offsets(%dma_start3A_120 : memref<128xi32, #tpu.memory_space<vmem>>) semaphore(%arg16 : memref<!tpu.dma_semaphore, #tpu.memory_space<semaphore_mem>>)
    %dma_start3A_123 = arith.constant 7 : i32
    %dma_start3A_124 = arith.constant 896 : i32
    %dma_start3A_125 = tpu.memref_slice %arg8[%dma_start3A_124] : memref<1152xi32, #tpu.memory_space<vmem>> -> memref<128xi32, #tpu.memory_space<vmem>>
    %dma_start3A_126 = arith.constant 0 : i32
    %dma_start3A_127 = tpu.memref_slice %arg9[%dma_start3A_123, %dma_start3A_126] : memref<9x128xi32, #tpu.memory_space<vmem>> -> memref<1x128xi32, #tpu.memory_space<vmem>>
    %dma_start3A_128 = tpu.memref_squeeze %dma_start3A_127 : memref<1x128xi32, #tpu.memory_space<vmem>> -> memref<128xi32, #tpu.memory_space<vmem>>
    %dma_start3A_129 = arith.constant 0 : i32
    %dma_start3A_130 = tpu.memref_slice %arg15[%dma_start3A_129] : memref<8208xi32, #tpu.memory_space<vmem_shared>> -> memref<8208xi32, #tpu.memory_space<vmem_shared>>
    tpu.enqueue_indirect_dma source(%dma_start3A_125 : memref<128xi32, #tpu.memory_space<vmem>>) target(%dma_start3A_130 : memref<8208xi32, #tpu.memory_space<vmem_shared>>) offsets(%dma_start3A_128 : memref<128xi32, #tpu.memory_space<vmem>>) semaphore(%arg16 : memref<!tpu.dma_semaphore, #tpu.memory_space<semaphore_mem>>)
    %dma_start3A_131 = arith.constant 8 : i32
    %dma_start3A_132 = arith.constant 1024 : i32
    %dma_start3A_133 = tpu.memref_slice %arg8[%dma_start3A_132] : memref<1152xi32, #tpu.memory_space<vmem>> -> memref<128xi32, #tpu.memory_space<vmem>>
    %dma_start3A_134 = arith.constant 0 : i32
    %dma_start3A_135 = tpu.memref_slice %arg9[%dma_start3A_131, %dma_start3A_134] : memref<9x128xi32, #tpu.memory_space<vmem>> -> memref<1x128xi32, #tpu.memory_space<vmem>>
    %dma_start3A_136 = tpu.memref_squeeze %dma_start3A_135 : memref<1x128xi32, #tpu.memory_space<vmem>> -> memref<128xi32, #tpu.memory_space<vmem>>
    %dma_start3A_137 = arith.constant 0 : i32
    %dma_start3A_138 = tpu.memref_slice %arg15[%dma_start3A_137] : memref<8208xi32, #tpu.memory_space<vmem_shared>> -> memref<8208xi32, #tpu.memory_space<vmem_shared>>
    tpu.enqueue_indirect_dma source(%dma_start3A_133 : memref<128xi32, #tpu.memory_space<vmem>>) target(%dma_start3A_138 : memref<8208xi32, #tpu.memory_space<vmem_shared>>) offsets(%dma_start3A_136 : memref<128xi32, #tpu.memory_space<vmem>>) semaphore(%arg16 : memref<!tpu.dma_semaphore, #tpu.memory_space<semaphore_mem>>)
    %dma_wait3A = arith.constant 0 : i32
    %dma_wait3A_139 = arith.constant 0 : i32
    %dma_wait3A_140 = tpu.memref_slice %arg8[%dma_wait3A_139] : memref<1152xi32, #tpu.memory_space<vmem>> -> memref<128xi32, #tpu.memory_space<vmem>>
    %dma_wait3A_141 = arith.constant 0 : i32
    %dma_wait3A_142 = tpu.memref_slice %arg9[%dma_wait3A, %dma_wait3A_141] : memref<9x128xi32, #tpu.memory_space<vmem>> -> memref<1x128xi32, #tpu.memory_space<vmem>>
    %dma_wait3A_143 = tpu.memref_squeeze %dma_wait3A_142 : memref<1x128xi32, #tpu.memory_space<vmem>> -> memref<128xi32, #tpu.memory_space<vmem>>
    %dma_wait3A_144 = arith.constant 0 : i32
    %dma_wait3A_145 = tpu.memref_slice %arg15[%dma_wait3A_144] : memref<8208xi32, #tpu.memory_space<vmem_shared>> -> memref<8208xi32, #tpu.memory_space<vmem_shared>>
    tpu.wait_indirect_dma semaphore(%arg16 : memref<!tpu.dma_semaphore, #tpu.memory_space<semaphore_mem>>) src(%dma_wait3A_140 : memref<128xi32, #tpu.memory_space<vmem>>) dst(%dma_wait3A_145 : memref<8208xi32, #tpu.memory_space<vmem_shared>>)
    %dma_wait3A_146 = arith.constant 1 : i32
    %dma_wait3A_147 = arith.constant 128 : i32
    %dma_wait3A_148 = tpu.memref_slice %arg8[%dma_wait3A_147] : memref<1152xi32, #tpu.memory_space<vmem>> -> memref<128xi32, #tpu.memory_space<vmem>>
    %dma_wait3A_149 = arith.constant 0 : i32
    %dma_wait3A_150 = tpu.memref_slice %arg9[%dma_wait3A_146, %dma_wait3A_149] : memref<9x128xi32, #tpu.memory_space<vmem>> -> memref<1x128xi32, #tpu.memory_space<vmem>>
    %dma_wait3A_151 = tpu.memref_squeeze %dma_wait3A_150 : memref<1x128xi32, #tpu.memory_space<vmem>> -> memref<128xi32, #tpu.memory_space<vmem>>
    %dma_wait3A_152 = arith.constant 0 : i32
    %dma_wait3A_153 = tpu.memref_slice %arg15[%dma_wait3A_152] : memref<8208xi32, #tpu.memory_space<vmem_shared>> -> memref<8208xi32, #tpu.memory_space<vmem_shared>>
    tpu.wait_indirect_dma semaphore(%arg16 : memref<!tpu.dma_semaphore, #tpu.memory_space<semaphore_mem>>) src(%dma_wait3A_148 : memref<128xi32, #tpu.memory_space<vmem>>) dst(%dma_wait3A_153 : memref<8208xi32, #tpu.memory_space<vmem_shared>>)
    %dma_wait3A_154 = arith.constant 2 : i32
    %dma_wait3A_155 = arith.constant 256 : i32
    %dma_wait3A_156 = tpu.memref_slice %arg8[%dma_wait3A_155] : memref<1152xi32, #tpu.memory_space<vmem>> -> memref<128xi32, #tpu.memory_space<vmem>>
    %dma_wait3A_157 = arith.constant 0 : i32
    %dma_wait3A_158 = tpu.memref_slice %arg9[%dma_wait3A_154, %dma_wait3A_157] : memref<9x128xi32, #tpu.memory_space<vmem>> -> memref<1x128xi32, #tpu.memory_space<vmem>>
    %dma_wait3A_159 = tpu.memref_squeeze %dma_wait3A_158 : memref<1x128xi32, #tpu.memory_space<vmem>> -> memref<128xi32, #tpu.memory_space<vmem>>
    %dma_wait3A_160 = arith.constant 0 : i32
    %dma_wait3A_161 = tpu.memref_slice %arg15[%dma_wait3A_160] : memref<8208xi32, #tpu.memory_space<vmem_shared>> -> memref<8208xi32, #tpu.memory_space<vmem_shared>>
    tpu.wait_indirect_dma semaphore(%arg16 : memref<!tpu.dma_semaphore, #tpu.memory_space<semaphore_mem>>) src(%dma_wait3A_156 : memref<128xi32, #tpu.memory_space<vmem>>) dst(%dma_wait3A_161 : memref<8208xi32, #tpu.memory_space<vmem_shared>>)
    %dma_wait3A_162 = arith.constant 3 : i32
    %dma_wait3A_163 = arith.constant 384 : i32
    %dma_wait3A_164 = tpu.memref_slice %arg8[%dma_wait3A_163] : memref<1152xi32, #tpu.memory_space<vmem>> -> memref<128xi32, #tpu.memory_space<vmem>>
    %dma_wait3A_165 = arith.constant 0 : i32
    %dma_wait3A_166 = tpu.memref_slice %arg9[%dma_wait3A_162, %dma_wait3A_165] : memref<9x128xi32, #tpu.memory_space<vmem>> -> memref<1x128xi32, #tpu.memory_space<vmem>>
    %dma_wait3A_167 = tpu.memref_squeeze %dma_wait3A_166 : memref<1x128xi32, #tpu.memory_space<vmem>> -> memref<128xi32, #tpu.memory_space<vmem>>
    %dma_wait3A_168 = arith.constant 0 : i32
    %dma_wait3A_169 = tpu.memref_slice %arg15[%dma_wait3A_168] : memref<8208xi32, #tpu.memory_space<vmem_shared>> -> memref<8208xi32, #tpu.memory_space<vmem_shared>>
    tpu.wait_indirect_dma semaphore(%arg16 : memref<!tpu.dma_semaphore, #tpu.memory_space<semaphore_mem>>) src(%dma_wait3A_164 : memref<128xi32, #tpu.memory_space<vmem>>) dst(%dma_wait3A_169 : memref<8208xi32, #tpu.memory_space<vmem_shared>>)
    %dma_wait3A_170 = arith.constant 4 : i32
    %dma_wait3A_171 = arith.constant 512 : i32
    %dma_wait3A_172 = tpu.memref_slice %arg8[%dma_wait3A_171] : memref<1152xi32, #tpu.memory_space<vmem>> -> memref<128xi32, #tpu.memory_space<vmem>>
    %dma_wait3A_173 = arith.constant 0 : i32
    %dma_wait3A_174 = tpu.memref_slice %arg9[%dma_wait3A_170, %dma_wait3A_173] : memref<9x128xi32, #tpu.memory_space<vmem>> -> memref<1x128xi32, #tpu.memory_space<vmem>>
    %dma_wait3A_175 = tpu.memref_squeeze %dma_wait3A_174 : memref<1x128xi32, #tpu.memory_space<vmem>> -> memref<128xi32, #tpu.memory_space<vmem>>
    %dma_wait3A_176 = arith.constant 0 : i32
    %dma_wait3A_177 = tpu.memref_slice %arg15[%dma_wait3A_176] : memref<8208xi32, #tpu.memory_space<vmem_shared>> -> memref<8208xi32, #tpu.memory_space<vmem_shared>>
    tpu.wait_indirect_dma semaphore(%arg16 : memref<!tpu.dma_semaphore, #tpu.memory_space<semaphore_mem>>) src(%dma_wait3A_172 : memref<128xi32, #tpu.memory_space<vmem>>) dst(%dma_wait3A_177 : memref<8208xi32, #tpu.memory_space<vmem_shared>>)
    %dma_wait3A_178 = arith.constant 5 : i32
    %dma_wait3A_179 = arith.constant 640 : i32
    %dma_wait3A_180 = tpu.memref_slice %arg8[%dma_wait3A_179] : memref<1152xi32, #tpu.memory_space<vmem>> -> memref<128xi32, #tpu.memory_space<vmem>>
    %dma_wait3A_181 = arith.constant 0 : i32
    %dma_wait3A_182 = tpu.memref_slice %arg9[%dma_wait3A_178, %dma_wait3A_181] : memref<9x128xi32, #tpu.memory_space<vmem>> -> memref<1x128xi32, #tpu.memory_space<vmem>>
    %dma_wait3A_183 = tpu.memref_squeeze %dma_wait3A_182 : memref<1x128xi32, #tpu.memory_space<vmem>> -> memref<128xi32, #tpu.memory_space<vmem>>
    %dma_wait3A_184 = arith.constant 0 : i32
    %dma_wait3A_185 = tpu.memref_slice %arg15[%dma_wait3A_184] : memref<8208xi32, #tpu.memory_space<vmem_shared>> -> memref<8208xi32, #tpu.memory_space<vmem_shared>>
    tpu.wait_indirect_dma semaphore(%arg16 : memref<!tpu.dma_semaphore, #tpu.memory_space<semaphore_mem>>) src(%dma_wait3A_180 : memref<128xi32, #tpu.memory_space<vmem>>) dst(%dma_wait3A_185 : memref<8208xi32, #tpu.memory_space<vmem_shared>>)
    %dma_wait3A_186 = arith.constant 6 : i32
    %dma_wait3A_187 = arith.constant 768 : i32
    %dma_wait3A_188 = tpu.memref_slice %arg8[%dma_wait3A_187] : memref<1152xi32, #tpu.memory_space<vmem>> -> memref<128xi32, #tpu.memory_space<vmem>>
    %dma_wait3A_189 = arith.constant 0 : i32
    %dma_wait3A_190 = tpu.memref_slice %arg9[%dma_wait3A_186, %dma_wait3A_189] : memref<9x128xi32, #tpu.memory_space<vmem>> -> memref<1x128xi32, #tpu.memory_space<vmem>>
    %dma_wait3A_191 = tpu.memref_squeeze %dma_wait3A_190 : memref<1x128xi32, #tpu.memory_space<vmem>> -> memref<128xi32, #tpu.memory_space<vmem>>
    %dma_wait3A_192 = arith.constant 0 : i32
    %dma_wait3A_193 = tpu.memref_slice %arg15[%dma_wait3A_192] : memref<8208xi32, #tpu.memory_space<vmem_shared>> -> memref<8208xi32, #tpu.memory_space<vmem_shared>>
    tpu.wait_indirect_dma semaphore(%arg16 : memref<!tpu.dma_semaphore, #tpu.memory_space<semaphore_mem>>) src(%dma_wait3A_188 : memref<128xi32, #tpu.memory_space<vmem>>) dst(%dma_wait3A_193 : memref<8208xi32, #tpu.memory_space<vmem_shared>>)
    %dma_wait3A_194 = arith.constant 7 : i32
    %dma_wait3A_195 = arith.constant 896 : i32
    %dma_wait3A_196 = tpu.memref_slice %arg8[%dma_wait3A_195] : memref<1152xi32, #tpu.memory_space<vmem>> -> memref<128xi32, #tpu.memory_space<vmem>>
    %dma_wait3A_197 = arith.constant 0 : i32
    %dma_wait3A_198 = tpu.memref_slice %arg9[%dma_wait3A_194, %dma_wait3A_197] : memref<9x128xi32, #tpu.memory_space<vmem>> -> memref<1x128xi32, #tpu.memory_space<vmem>>
    %dma_wait3A_199 = tpu.memref_squeeze %dma_wait3A_198 : memref<1x128xi32, #tpu.memory_space<vmem>> -> memref<128xi32, #tpu.memory_space<vmem>>
    %dma_wait3A_200 = arith.constant 0 : i32
    %dma_wait3A_201 = tpu.memref_slice %arg15[%dma_wait3A_200] : memref<8208xi32, #tpu.memory_space<vmem_shared>> -> memref<8208xi32, #tpu.memory_space<vmem_shared>>
    tpu.wait_indirect_dma semaphore(%arg16 : memref<!tpu.dma_semaphore, #tpu.memory_space<semaphore_mem>>) src(%dma_wait3A_196 : memref<128xi32, #tpu.memory_space<vmem>>) dst(%dma_wait3A_201 : memref<8208xi32, #tpu.memory_space<vmem_shared>>)
    %dma_wait3A_202 = arith.constant 8 : i32
    %dma_wait3A_203 = arith.constant 1024 : i32
    %dma_wait3A_204 = tpu.memref_slice %arg8[%dma_wait3A_203] : memref<1152xi32, #tpu.memory_space<vmem>> -> memref<128xi32, #tpu.memory_space<vmem>>
    %dma_wait3A_205 = arith.constant 0 : i32
    %dma_wait3A_206 = tpu.memref_slice %arg9[%dma_wait3A_202, %dma_wait3A_205] : memref<9x128xi32, #tpu.memory_space<vmem>> -> memref<1x128xi32, #tpu.memory_space<vmem>>
    %dma_wait3A_207 = tpu.memref_squeeze %dma_wait3A_206 : memref<1x128xi32, #tpu.memory_space<vmem>> -> memref<128xi32, #tpu.memory_space<vmem>>
    %dma_wait3A_208 = arith.constant 0 : i32
    %dma_wait3A_209 = tpu.memref_slice %arg15[%dma_wait3A_208] : memref<8208xi32, #tpu.memory_space<vmem_shared>> -> memref<8208xi32, #tpu.memory_space<vmem_shared>>
    tpu.wait_indirect_dma semaphore(%arg16 : memref<!tpu.dma_semaphore, #tpu.memory_space<semaphore_mem>>) src(%dma_wait3A_204 : memref<128xi32, #tpu.memory_space<vmem>>) dst(%dma_wait3A_209 : memref<8208xi32, #tpu.memory_space<vmem_shared>>)
    %barrier3A = arith.constant 0 : index
    tpu.barrier barrier_id(%barrier3A)
    %mul3A_210 = arith.constant 512 : i32
    %mul3A_211 = arith.muli %arg1, %mul3A_210 : i32
    "tpu.region"() ({
      %run_scoped3A = tpu.sem_alloc : memref<!tpu.dma_semaphore, #tpu.memory_space<semaphore_mem>>
      %dma_start3A_535 = tpu.memref_slice %arg15[%mul3A_211] : memref<8208xi32, #tpu.memory_space<vmem_shared>> -> memref<512xi32, #tpu.memory_space<vmem_shared>>
      %dma_start3A_536 = tpu.memref_slice %arg15[%mul3A_211] : memref<8208xi32, #tpu.memory_space<vmem_shared>> -> memref<512xi32, #tpu.memory_space<vmem_shared>>
      tpu.enqueue_dma source(%dma_start3A_536 : memref<512xi32, #tpu.memory_space<vmem_shared>>) target(%arg10 : memref<512xi32, #tpu.memory_space<vmem>>) target_semaphore(%run_scoped3A : memref<!tpu.dma_semaphore, #tpu.memory_space<semaphore_mem>>)
      %dma_wait3A_537 = tpu.memref_slice %arg15[%mul3A_211] : memref<8208xi32, #tpu.memory_space<vmem_shared>> -> memref<512xi32, #tpu.memory_space<vmem_shared>>
      %dma_wait3A_538 = tpu.memref_slice %arg15[%mul3A_211] : memref<8208xi32, #tpu.memory_space<vmem_shared>> -> memref<512xi32, #tpu.memory_space<vmem_shared>>
      tpu.wait_dma2 semaphore(%run_scoped3A : memref<!tpu.dma_semaphore, #tpu.memory_space<semaphore_mem>>) src(%dma_wait3A_538 : memref<512xi32, #tpu.memory_space<vmem_shared>>) dst(%arg10 : memref<512xi32, #tpu.memory_space<vmem>>)
      tpu.yield
    }) : () -> ()
    %mul3A_212 = arith.constant 8192 : i32
    %mul3A_213 = arith.muli %arg0, %mul3A_212 : i32
    %add3A_214 = arith.addi %mul3A_213, %mul3A_211 : i32
    %dma_start3A_215 = arith.constant 0 : i32
    %dma_start3A_216 = tpu.memref_slice %arg10[%dma_start3A_215] : memref<512xi32, #tpu.memory_space<vmem>> -> memref<32xi32, #tpu.memory_space<vmem>>
    %dma_start3A_217 = arith.constant 0 : i32
    %dma_start3A_218 = arith.constant 0 : i32
    %dma_start3A_219 = tpu.memref_slice %arg2[%dma_start3A_217, %dma_start3A_218] : memref<32768x768xf32, #tpu.memory_space<hbm>> -> memref<32768x768xf32, #tpu.memory_space<hbm>>
    tpu.enqueue_indirect_dma source(%dma_start3A_219 : memref<32768x768xf32, #tpu.memory_space<hbm>>) target(%arg11 : memref<32x768xf32, #tpu.memory_space<vmem>>) offsets(%dma_start3A_216 : memref<32xi32, #tpu.memory_space<vmem>>) semaphore(%arg17 : memref<!tpu.dma_semaphore, #tpu.memory_space<semaphore_mem>>)
    %dma_start3A_220 = arith.constant 32 : i32
    %dma_start3A_221 = tpu.memref_slice %arg10[%dma_start3A_220] : memref<512xi32, #tpu.memory_space<vmem>> -> memref<32xi32, #tpu.memory_space<vmem>>
    %dma_start3A_222 = arith.constant 0 : i32
    %dma_start3A_223 = arith.constant 0 : i32
    %dma_start3A_224 = tpu.memref_slice %arg2[%dma_start3A_222, %dma_start3A_223] : memref<32768x768xf32, #tpu.memory_space<hbm>> -> memref<32768x768xf32, #tpu.memory_space<hbm>>
    tpu.enqueue_indirect_dma source(%dma_start3A_224 : memref<32768x768xf32, #tpu.memory_space<hbm>>) target(%arg12 : memref<32x768xf32, #tpu.memory_space<vmem>>) offsets(%dma_start3A_221 : memref<32xi32, #tpu.memory_space<vmem>>) semaphore(%arg18 : memref<!tpu.dma_semaphore, #tpu.memory_space<semaphore_mem>>)
    %dma_start3A_225 = arith.constant 64 : i32
    %dma_start3A_226 = tpu.memref_slice %arg10[%dma_start3A_225] : memref<512xi32, #tpu.memory_space<vmem>> -> memref<32xi32, #tpu.memory_space<vmem>>
    %dma_start3A_227 = arith.constant 0 : i32
    %dma_start3A_228 = arith.constant 0 : i32
    %dma_start3A_229 = tpu.memref_slice %arg2[%dma_start3A_227, %dma_start3A_228] : memref<32768x768xf32, #tpu.memory_space<hbm>> -> memref<32768x768xf32, #tpu.memory_space<hbm>>
    tpu.enqueue_indirect_dma source(%dma_start3A_229 : memref<32768x768xf32, #tpu.memory_space<hbm>>) target(%arg13 : memref<32x768xf32, #tpu.memory_space<vmem>>) offsets(%dma_start3A_226 : memref<32xi32, #tpu.memory_space<vmem>>) semaphore(%arg19 : memref<!tpu.dma_semaphore, #tpu.memory_space<semaphore_mem>>)
    %dma_start3A_230 = arith.constant 96 : i32
    %dma_start3A_231 = tpu.memref_slice %arg10[%dma_start3A_230] : memref<512xi32, #tpu.memory_space<vmem>> -> memref<32xi32, #tpu.memory_space<vmem>>
    %dma_start3A_232 = arith.constant 0 : i32
    %dma_start3A_233 = arith.constant 0 : i32
    %dma_start3A_234 = tpu.memref_slice %arg2[%dma_start3A_232, %dma_start3A_233] : memref<32768x768xf32, #tpu.memory_space<hbm>> -> memref<32768x768xf32, #tpu.memory_space<hbm>>
    tpu.enqueue_indirect_dma source(%dma_start3A_234 : memref<32768x768xf32, #tpu.memory_space<hbm>>) target(%arg14 : memref<32x768xf32, #tpu.memory_space<vmem>>) offsets(%dma_start3A_231 : memref<32xi32, #tpu.memory_space<vmem>>) semaphore(%arg20 : memref<!tpu.dma_semaphore, #tpu.memory_space<semaphore_mem>>)
    %dma_wait3A_235 = arith.constant 0 : i32
    %dma_wait3A_236 = tpu.memref_slice %arg10[%dma_wait3A_235] : memref<512xi32, #tpu.memory_space<vmem>> -> memref<32xi32, #tpu.memory_space<vmem>>
    %dma_wait3A_237 = arith.constant 0 : i32
    %dma_wait3A_238 = arith.constant 0 : i32
    %dma_wait3A_239 = tpu.memref_slice %arg2[%dma_wait3A_237, %dma_wait3A_238] : memref<32768x768xf32, #tpu.memory_space<hbm>> -> memref<32768x768xf32, #tpu.memory_space<hbm>>
    tpu.wait_indirect_dma semaphore(%arg17 : memref<!tpu.dma_semaphore, #tpu.memory_space<semaphore_mem>>) src(%dma_wait3A_239 : memref<32768x768xf32, #tpu.memory_space<hbm>>) dst(%arg11 : memref<32x768xf32, #tpu.memory_space<vmem>>)
    %add3A_240 = arith.constant 0 : i32
    %add3A_241 = arith.addi %add3A_214, %add3A_240 : i32
    %dma_start3A_242 = arith.constant 0 : i32
    %dma_start3A_243 = tpu.memref_slice %arg5[%add3A_241, %dma_start3A_242] : memref<16384x768xf32, #tpu.memory_space<hbm>> -> memref<32x768xf32, #tpu.memory_space<hbm>>
    %dma_start3A_244 = arith.constant 0 : i32
    %dma_start3A_245 = tpu.memref_slice %arg5[%add3A_241, %dma_start3A_244] : memref<16384x768xf32, #tpu.memory_space<hbm>> -> memref<32x768xf32, #tpu.memory_space<hbm>>
    tpu.enqueue_dma source(%arg11 : memref<32x768xf32, #tpu.memory_space<vmem>>) target(%dma_start3A_245 : memref<32x768xf32, #tpu.memory_space<hbm>>) target_semaphore(%arg21 : memref<!tpu.dma_semaphore, #tpu.memory_space<semaphore_mem>>)
    %dma_wait3A_246 = arith.constant 0 : i32
    %dma_wait3A_247 = tpu.memref_slice %arg5[%add3A_241, %dma_wait3A_246] : memref<16384x768xf32, #tpu.memory_space<hbm>> -> memref<32x768xf32, #tpu.memory_space<hbm>>
    %dma_wait3A_248 = arith.constant 0 : i32
    %dma_wait3A_249 = tpu.memref_slice %arg5[%add3A_241, %dma_wait3A_248] : memref<16384x768xf32, #tpu.memory_space<hbm>> -> memref<32x768xf32, #tpu.memory_space<hbm>>
    tpu.wait_dma2 semaphore(%arg21 : memref<!tpu.dma_semaphore, #tpu.memory_space<semaphore_mem>>) src(%arg11 : memref<32x768xf32, #tpu.memory_space<vmem>>) dst(%dma_wait3A_249 : memref<32x768xf32, #tpu.memory_space<hbm>>)
    %dma_start3A_250 = arith.constant 128 : i32
    %dma_start3A_251 = tpu.memref_slice %arg10[%dma_start3A_250] : memref<512xi32, #tpu.memory_space<vmem>> -> memref<32xi32, #tpu.memory_space<vmem>>
    %dma_start3A_252 = arith.constant 0 : i32
    %dma_start3A_253 = arith.constant 0 : i32
    %dma_start3A_254 = tpu.memref_slice %arg2[%dma_start3A_252, %dma_start3A_253] : memref<32768x768xf32, #tpu.memory_space<hbm>> -> memref<32768x768xf32, #tpu.memory_space<hbm>>
    tpu.enqueue_indirect_dma source(%dma_start3A_254 : memref<32768x768xf32, #tpu.memory_space<hbm>>) target(%arg11 : memref<32x768xf32, #tpu.memory_space<vmem>>) offsets(%dma_start3A_251 : memref<32xi32, #tpu.memory_space<vmem>>) semaphore(%arg17 : memref<!tpu.dma_semaphore, #tpu.memory_space<semaphore_mem>>)
    %dma_wait3A_255 = arith.constant 32 : i32
    %dma_wait3A_256 = tpu.memref_slice %arg10[%dma_wait3A_255] : memref<512xi32, #tpu.memory_space<vmem>> -> memref<32xi32, #tpu.memory_space<vmem>>
    %dma_wait3A_257 = arith.constant 0 : i32
    %dma_wait3A_258 = arith.constant 0 : i32
    %dma_wait3A_259 = tpu.memref_slice %arg2[%dma_wait3A_257, %dma_wait3A_258] : memref<32768x768xf32, #tpu.memory_space<hbm>> -> memref<32768x768xf32, #tpu.memory_space<hbm>>
    tpu.wait_indirect_dma semaphore(%arg18 : memref<!tpu.dma_semaphore, #tpu.memory_space<semaphore_mem>>) src(%dma_wait3A_259 : memref<32768x768xf32, #tpu.memory_space<hbm>>) dst(%arg12 : memref<32x768xf32, #tpu.memory_space<vmem>>)
    %add3A_260 = arith.constant 32 : i32
    %add3A_261 = arith.addi %add3A_214, %add3A_260 : i32
    %dma_start3A_262 = arith.constant 0 : i32
    %dma_start3A_263 = tpu.memref_slice %arg5[%add3A_261, %dma_start3A_262] : memref<16384x768xf32, #tpu.memory_space<hbm>> -> memref<32x768xf32, #tpu.memory_space<hbm>>
    %dma_start3A_264 = arith.constant 0 : i32
    %dma_start3A_265 = tpu.memref_slice %arg5[%add3A_261, %dma_start3A_264] : memref<16384x768xf32, #tpu.memory_space<hbm>> -> memref<32x768xf32, #tpu.memory_space<hbm>>
    tpu.enqueue_dma source(%arg12 : memref<32x768xf32, #tpu.memory_space<vmem>>) target(%dma_start3A_265 : memref<32x768xf32, #tpu.memory_space<hbm>>) target_semaphore(%arg22 : memref<!tpu.dma_semaphore, #tpu.memory_space<semaphore_mem>>)
    %dma_wait3A_266 = arith.constant 0 : i32
    %dma_wait3A_267 = tpu.memref_slice %arg5[%add3A_261, %dma_wait3A_266] : memref<16384x768xf32, #tpu.memory_space<hbm>> -> memref<32x768xf32, #tpu.memory_space<hbm>>
    %dma_wait3A_268 = arith.constant 0 : i32
    %dma_wait3A_269 = tpu.memref_slice %arg5[%add3A_261, %dma_wait3A_268] : memref<16384x768xf32, #tpu.memory_space<hbm>> -> memref<32x768xf32, #tpu.memory_space<hbm>>
    tpu.wait_dma2 semaphore(%arg22 : memref<!tpu.dma_semaphore, #tpu.memory_space<semaphore_mem>>) src(%arg12 : memref<32x768xf32, #tpu.memory_space<vmem>>) dst(%dma_wait3A_269 : memref<32x768xf32, #tpu.memory_space<hbm>>)
    %dma_start3A_270 = arith.constant 160 : i32
    %dma_start3A_271 = tpu.memref_slice %arg10[%dma_start3A_270] : memref<512xi32, #tpu.memory_space<vmem>> -> memref<32xi32, #tpu.memory_space<vmem>>
    %dma_start3A_272 = arith.constant 0 : i32
    %dma_start3A_273 = arith.constant 0 : i32
    %dma_start3A_274 = tpu.memref_slice %arg2[%dma_start3A_272, %dma_start3A_273] : memref<32768x768xf32, #tpu.memory_space<hbm>> -> memref<32768x768xf32, #tpu.memory_space<hbm>>
    tpu.enqueue_indirect_dma source(%dma_start3A_274 : memref<32768x768xf32, #tpu.memory_space<hbm>>) target(%arg12 : memref<32x768xf32, #tpu.memory_space<vmem>>) offsets(%dma_start3A_271 : memref<32xi32, #tpu.memory_space<vmem>>) semaphore(%arg18 : memref<!tpu.dma_semaphore, #tpu.memory_space<semaphore_mem>>)
    %dma_wait3A_275 = arith.constant 64 : i32
    %dma_wait3A_276 = tpu.memref_slice %arg10[%dma_wait3A_275] : memref<512xi32, #tpu.memory_space<vmem>> -> memref<32xi32, #tpu.memory_space<vmem>>
    %dma_wait3A_277 = arith.constant 0 : i32
    %dma_wait3A_278 = arith.constant 0 : i32
    %dma_wait3A_279 = tpu.memref_slice %arg2[%dma_wait3A_277, %dma_wait3A_278] : memref<32768x768xf32, #tpu.memory_space<hbm>> -> memref<32768x768xf32, #tpu.memory_space<hbm>>
    tpu.wait_indirect_dma semaphore(%arg19 : memref<!tpu.dma_semaphore, #tpu.memory_space<semaphore_mem>>) src(%dma_wait3A_279 : memref<32768x768xf32, #tpu.memory_space<hbm>>) dst(%arg13 : memref<32x768xf32, #tpu.memory_space<vmem>>)
    %add3A_280 = arith.constant 64 : i32
    %add3A_281 = arith.addi %add3A_214, %add3A_280 : i32
    %dma_start3A_282 = arith.constant 0 : i32
    %dma_start3A_283 = tpu.memref_slice %arg5[%add3A_281, %dma_start3A_282] : memref<16384x768xf32, #tpu.memory_space<hbm>> -> memref<32x768xf32, #tpu.memory_space<hbm>>
    %dma_start3A_284 = arith.constant 0 : i32
    %dma_start3A_285 = tpu.memref_slice %arg5[%add3A_281, %dma_start3A_284] : memref<16384x768xf32, #tpu.memory_space<hbm>> -> memref<32x768xf32, #tpu.memory_space<hbm>>
    tpu.enqueue_dma source(%arg13 : memref<32x768xf32, #tpu.memory_space<vmem>>) target(%dma_start3A_285 : memref<32x768xf32, #tpu.memory_space<hbm>>) target_semaphore(%arg23 : memref<!tpu.dma_semaphore, #tpu.memory_space<semaphore_mem>>)
    %dma_wait3A_286 = arith.constant 0 : i32
    %dma_wait3A_287 = tpu.memref_slice %arg5[%add3A_281, %dma_wait3A_286] : memref<16384x768xf32, #tpu.memory_space<hbm>> -> memref<32x768xf32, #tpu.memory_space<hbm>>
    %dma_wait3A_288 = arith.constant 0 : i32
    %dma_wait3A_289 = tpu.memref_slice %arg5[%add3A_281, %dma_wait3A_288] : memref<16384x768xf32, #tpu.memory_space<hbm>> -> memref<32x768xf32, #tpu.memory_space<hbm>>
    tpu.wait_dma2 semaphore(%arg23 : memref<!tpu.dma_semaphore, #tpu.memory_space<semaphore_mem>>) src(%arg13 : memref<32x768xf32, #tpu.memory_space<vmem>>) dst(%dma_wait3A_289 : memref<32x768xf32, #tpu.memory_space<hbm>>)
    %dma_start3A_290 = arith.constant 192 : i32
    %dma_start3A_291 = tpu.memref_slice %arg10[%dma_start3A_290] : memref<512xi32, #tpu.memory_space<vmem>> -> memref<32xi32, #tpu.memory_space<vmem>>
    %dma_start3A_292 = arith.constant 0 : i32
    %dma_start3A_293 = arith.constant 0 : i32
    %dma_start3A_294 = tpu.memref_slice %arg2[%dma_start3A_292, %dma_start3A_293] : memref<32768x768xf32, #tpu.memory_space<hbm>> -> memref<32768x768xf32, #tpu.memory_space<hbm>>
    tpu.enqueue_indirect_dma source(%dma_start3A_294 : memref<32768x768xf32, #tpu.memory_space<hbm>>) target(%arg13 : memref<32x768xf32, #tpu.memory_space<vmem>>) offsets(%dma_start3A_291 : memref<32xi32, #tpu.memory_space<vmem>>) semaphore(%arg19 : memref<!tpu.dma_semaphore, #tpu.memory_space<semaphore_mem>>)
    %dma_wait3A_295 = arith.constant 96 : i32
    %dma_wait3A_296 = tpu.memref_slice %arg10[%dma_wait3A_295] : memref<512xi32, #tpu.memory_space<vmem>> -> memref<32xi32, #tpu.memory_space<vmem>>
    %dma_wait3A_297 = arith.constant 0 : i32
    %dma_wait3A_298 = arith.constant 0 : i32
    %dma_wait3A_299 = tpu.memref_slice %arg2[%dma_wait3A_297, %dma_wait3A_298] : memref<32768x768xf32, #tpu.memory_space<hbm>> -> memref<32768x768xf32, #tpu.memory_space<hbm>>
    tpu.wait_indirect_dma semaphore(%arg20 : memref<!tpu.dma_semaphore, #tpu.memory_space<semaphore_mem>>) src(%dma_wait3A_299 : memref<32768x768xf32, #tpu.memory_space<hbm>>) dst(%arg14 : memref<32x768xf32, #tpu.memory_space<vmem>>)
    %add3A_300 = arith.constant 96 : i32
    %add3A_301 = arith.addi %add3A_214, %add3A_300 : i32
    %dma_start3A_302 = arith.constant 0 : i32
    %dma_start3A_303 = tpu.memref_slice %arg5[%add3A_301, %dma_start3A_302] : memref<16384x768xf32, #tpu.memory_space<hbm>> -> memref<32x768xf32, #tpu.memory_space<hbm>>
    %dma_start3A_304 = arith.constant 0 : i32
    %dma_start3A_305 = tpu.memref_slice %arg5[%add3A_301, %dma_start3A_304] : memref<16384x768xf32, #tpu.memory_space<hbm>> -> memref<32x768xf32, #tpu.memory_space<hbm>>
    tpu.enqueue_dma source(%arg14 : memref<32x768xf32, #tpu.memory_space<vmem>>) target(%dma_start3A_305 : memref<32x768xf32, #tpu.memory_space<hbm>>) target_semaphore(%arg24 : memref<!tpu.dma_semaphore, #tpu.memory_space<semaphore_mem>>)
    %dma_wait3A_306 = arith.constant 0 : i32
    %dma_wait3A_307 = tpu.memref_slice %arg5[%add3A_301, %dma_wait3A_306] : memref<16384x768xf32, #tpu.memory_space<hbm>> -> memref<32x768xf32, #tpu.memory_space<hbm>>
    %dma_wait3A_308 = arith.constant 0 : i32
    %dma_wait3A_309 = tpu.memref_slice %arg5[%add3A_301, %dma_wait3A_308] : memref<16384x768xf32, #tpu.memory_space<hbm>> -> memref<32x768xf32, #tpu.memory_space<hbm>>
    tpu.wait_dma2 semaphore(%arg24 : memref<!tpu.dma_semaphore, #tpu.memory_space<semaphore_mem>>) src(%arg14 : memref<32x768xf32, #tpu.memory_space<vmem>>) dst(%dma_wait3A_309 : memref<32x768xf32, #tpu.memory_space<hbm>>)
    %dma_start3A_310 = arith.constant 224 : i32
    %dma_start3A_311 = tpu.memref_slice %arg10[%dma_start3A_310] : memref<512xi32, #tpu.memory_space<vmem>> -> memref<32xi32, #tpu.memory_space<vmem>>
    %dma_start3A_312 = arith.constant 0 : i32
    %dma_start3A_313 = arith.constant 0 : i32
    %dma_start3A_314 = tpu.memref_slice %arg2[%dma_start3A_312, %dma_start3A_313] : memref<32768x768xf32, #tpu.memory_space<hbm>> -> memref<32768x768xf32, #tpu.memory_space<hbm>>
    tpu.enqueue_indirect_dma source(%dma_start3A_314 : memref<32768x768xf32, #tpu.memory_space<hbm>>) target(%arg14 : memref<32x768xf32, #tpu.memory_space<vmem>>) offsets(%dma_start3A_311 : memref<32xi32, #tpu.memory_space<vmem>>) semaphore(%arg20 : memref<!tpu.dma_semaphore, #tpu.memory_space<semaphore_mem>>)
    %dma_wait3A_315 = arith.constant 128 : i32
    %dma_wait3A_316 = tpu.memref_slice %arg10[%dma_wait3A_315] : memref<512xi32, #tpu.memory_space<vmem>> -> memref<32xi32, #tpu.memory_space<vmem>>
    %dma_wait3A_317 = arith.constant 0 : i32
    %dma_wait3A_318 = arith.constant 0 : i32
    %dma_wait3A_319 = tpu.memref_slice %arg2[%dma_wait3A_317, %dma_wait3A_318] : memref<32768x768xf32, #tpu.memory_space<hbm>> -> memref<32768x768xf32, #tpu.memory_space<hbm>>
    tpu.wait_indirect_dma semaphore(%arg17 : memref<!tpu.dma_semaphore, #tpu.memory_space<semaphore_mem>>) src(%dma_wait3A_319 : memref<32768x768xf32, #tpu.memory_space<hbm>>) dst(%arg11 : memref<32x768xf32, #tpu.memory_space<vmem>>)
    %add3A_320 = arith.constant 128 : i32
    %add3A_321 = arith.addi %add3A_214, %add3A_320 : i32
    %dma_start3A_322 = arith.constant 0 : i32
    %dma_start3A_323 = tpu.memref_slice %arg5[%add3A_321, %dma_start3A_322] : memref<16384x768xf32, #tpu.memory_space<hbm>> -> memref<32x768xf32, #tpu.memory_space<hbm>>
    %dma_start3A_324 = arith.constant 0 : i32
    %dma_start3A_325 = tpu.memref_slice %arg5[%add3A_321, %dma_start3A_324] : memref<16384x768xf32, #tpu.memory_space<hbm>> -> memref<32x768xf32, #tpu.memory_space<hbm>>
    tpu.enqueue_dma source(%arg11 : memref<32x768xf32, #tpu.memory_space<vmem>>) target(%dma_start3A_325 : memref<32x768xf32, #tpu.memory_space<hbm>>) target_semaphore(%arg21 : memref<!tpu.dma_semaphore, #tpu.memory_space<semaphore_mem>>)
    %dma_wait3A_326 = arith.constant 0 : i32
    %dma_wait3A_327 = tpu.memref_slice %arg5[%add3A_321, %dma_wait3A_326] : memref<16384x768xf32, #tpu.memory_space<hbm>> -> memref<32x768xf32, #tpu.memory_space<hbm>>
    %dma_wait3A_328 = arith.constant 0 : i32
    %dma_wait3A_329 = tpu.memref_slice %arg5[%add3A_321, %dma_wait3A_328] : memref<16384x768xf32, #tpu.memory_space<hbm>> -> memref<32x768xf32, #tpu.memory_space<hbm>>
    tpu.wait_dma2 semaphore(%arg21 : memref<!tpu.dma_semaphore, #tpu.memory_space<semaphore_mem>>) src(%arg11 : memref<32x768xf32, #tpu.memory_space<vmem>>) dst(%dma_wait3A_329 : memref<32x768xf32, #tpu.memory_space<hbm>>)
    %dma_start3A_330 = arith.constant 256 : i32
    %dma_start3A_331 = tpu.memref_slice %arg10[%dma_start3A_330] : memref<512xi32, #tpu.memory_space<vmem>> -> memref<32xi32, #tpu.memory_space<vmem>>
    %dma_start3A_332 = arith.constant 0 : i32
    %dma_start3A_333 = arith.constant 0 : i32
    %dma_start3A_334 = tpu.memref_slice %arg2[%dma_start3A_332, %dma_start3A_333] : memref<32768x768xf32, #tpu.memory_space<hbm>> -> memref<32768x768xf32, #tpu.memory_space<hbm>>
    tpu.enqueue_indirect_dma source(%dma_start3A_334 : memref<32768x768xf32, #tpu.memory_space<hbm>>) target(%arg11 : memref<32x768xf32, #tpu.memory_space<vmem>>) offsets(%dma_start3A_331 : memref<32xi32, #tpu.memory_space<vmem>>) semaphore(%arg17 : memref<!tpu.dma_semaphore, #tpu.memory_space<semaphore_mem>>)
    %dma_wait3A_335 = arith.constant 160 : i32
    %dma_wait3A_336 = tpu.memref_slice %arg10[%dma_wait3A_335] : memref<512xi32, #tpu.memory_space<vmem>> -> memref<32xi32, #tpu.memory_space<vmem>>
    %dma_wait3A_337 = arith.constant 0 : i32
    %dma_wait3A_338 = arith.constant 0 : i32
    %dma_wait3A_339 = tpu.memref_slice %arg2[%dma_wait3A_337, %dma_wait3A_338] : memref<32768x768xf32, #tpu.memory_space<hbm>> -> memref<32768x768xf32, #tpu.memory_space<hbm>>
    tpu.wait_indirect_dma semaphore(%arg18 : memref<!tpu.dma_semaphore, #tpu.memory_space<semaphore_mem>>) src(%dma_wait3A_339 : memref<32768x768xf32, #tpu.memory_space<hbm>>) dst(%arg12 : memref<32x768xf32, #tpu.memory_space<vmem>>)
    %add3A_340 = arith.constant 160 : i32
    %add3A_341 = arith.addi %add3A_214, %add3A_340 : i32
    %dma_start3A_342 = arith.constant 0 : i32
    %dma_start3A_343 = tpu.memref_slice %arg5[%add3A_341, %dma_start3A_342] : memref<16384x768xf32, #tpu.memory_space<hbm>> -> memref<32x768xf32, #tpu.memory_space<hbm>>
    %dma_start3A_344 = arith.constant 0 : i32
    %dma_start3A_345 = tpu.memref_slice %arg5[%add3A_341, %dma_start3A_344] : memref<16384x768xf32, #tpu.memory_space<hbm>> -> memref<32x768xf32, #tpu.memory_space<hbm>>
    tpu.enqueue_dma source(%arg12 : memref<32x768xf32, #tpu.memory_space<vmem>>) target(%dma_start3A_345 : memref<32x768xf32, #tpu.memory_space<hbm>>) target_semaphore(%arg22 : memref<!tpu.dma_semaphore, #tpu.memory_space<semaphore_mem>>)
    %dma_wait3A_346 = arith.constant 0 : i32
    %dma_wait3A_347 = tpu.memref_slice %arg5[%add3A_341, %dma_wait3A_346] : memref<16384x768xf32, #tpu.memory_space<hbm>> -> memref<32x768xf32, #tpu.memory_space<hbm>>
    %dma_wait3A_348 = arith.constant 0 : i32
    %dma_wait3A_349 = tpu.memref_slice %arg5[%add3A_341, %dma_wait3A_348] : memref<16384x768xf32, #tpu.memory_space<hbm>> -> memref<32x768xf32, #tpu.memory_space<hbm>>
    tpu.wait_dma2 semaphore(%arg22 : memref<!tpu.dma_semaphore, #tpu.memory_space<semaphore_mem>>) src(%arg12 : memref<32x768xf32, #tpu.memory_space<vmem>>) dst(%dma_wait3A_349 : memref<32x768xf32, #tpu.memory_space<hbm>>)
    %dma_start3A_350 = arith.constant 288 : i32
    %dma_start3A_351 = tpu.memref_slice %arg10[%dma_start3A_350] : memref<512xi32, #tpu.memory_space<vmem>> -> memref<32xi32, #tpu.memory_space<vmem>>
    %dma_start3A_352 = arith.constant 0 : i32
    %dma_start3A_353 = arith.constant 0 : i32
    %dma_start3A_354 = tpu.memref_slice %arg2[%dma_start3A_352, %dma_start3A_353] : memref<32768x768xf32, #tpu.memory_space<hbm>> -> memref<32768x768xf32, #tpu.memory_space<hbm>>
    tpu.enqueue_indirect_dma source(%dma_start3A_354 : memref<32768x768xf32, #tpu.memory_space<hbm>>) target(%arg12 : memref<32x768xf32, #tpu.memory_space<vmem>>) offsets(%dma_start3A_351 : memref<32xi32, #tpu.memory_space<vmem>>) semaphore(%arg18 : memref<!tpu.dma_semaphore, #tpu.memory_space<semaphore_mem>>)
    %dma_wait3A_355 = arith.constant 192 : i32
    %dma_wait3A_356 = tpu.memref_slice %arg10[%dma_wait3A_355] : memref<512xi32, #tpu.memory_space<vmem>> -> memref<32xi32, #tpu.memory_space<vmem>>
    %dma_wait3A_357 = arith.constant 0 : i32
    %dma_wait3A_358 = arith.constant 0 : i32
    %dma_wait3A_359 = tpu.memref_slice %arg2[%dma_wait3A_357, %dma_wait3A_358] : memref<32768x768xf32, #tpu.memory_space<hbm>> -> memref<32768x768xf32, #tpu.memory_space<hbm>>
    tpu.wait_indirect_dma semaphore(%arg19 : memref<!tpu.dma_semaphore, #tpu.memory_space<semaphore_mem>>) src(%dma_wait3A_359 : memref<32768x768xf32, #tpu.memory_space<hbm>>) dst(%arg13 : memref<32x768xf32, #tpu.memory_space<vmem>>)
    %add3A_360 = arith.constant 192 : i32
    %add3A_361 = arith.addi %add3A_214, %add3A_360 : i32
    %dma_start3A_362 = arith.constant 0 : i32
    %dma_start3A_363 = tpu.memref_slice %arg5[%add3A_361, %dma_start3A_362] : memref<16384x768xf32, #tpu.memory_space<hbm>> -> memref<32x768xf32, #tpu.memory_space<hbm>>
    %dma_start3A_364 = arith.constant 0 : i32
    %dma_start3A_365 = tpu.memref_slice %arg5[%add3A_361, %dma_start3A_364] : memref<16384x768xf32, #tpu.memory_space<hbm>> -> memref<32x768xf32, #tpu.memory_space<hbm>>
    tpu.enqueue_dma source(%arg13 : memref<32x768xf32, #tpu.memory_space<vmem>>) target(%dma_start3A_365 : memref<32x768xf32, #tpu.memory_space<hbm>>) target_semaphore(%arg23 : memref<!tpu.dma_semaphore, #tpu.memory_space<semaphore_mem>>)
    %dma_wait3A_366 = arith.constant 0 : i32
    %dma_wait3A_367 = tpu.memref_slice %arg5[%add3A_361, %dma_wait3A_366] : memref<16384x768xf32, #tpu.memory_space<hbm>> -> memref<32x768xf32, #tpu.memory_space<hbm>>
    %dma_wait3A_368 = arith.constant 0 : i32
    %dma_wait3A_369 = tpu.memref_slice %arg5[%add3A_361, %dma_wait3A_368] : memref<16384x768xf32, #tpu.memory_space<hbm>> -> memref<32x768xf32, #tpu.memory_space<hbm>>
    tpu.wait_dma2 semaphore(%arg23 : memref<!tpu.dma_semaphore, #tpu.memory_space<semaphore_mem>>) src(%arg13 : memref<32x768xf32, #tpu.memory_space<vmem>>) dst(%dma_wait3A_369 : memref<32x768xf32, #tpu.memory_space<hbm>>)
    %dma_start3A_370 = arith.constant 320 : i32
    %dma_start3A_371 = tpu.memref_slice %arg10[%dma_start3A_370] : memref<512xi32, #tpu.memory_space<vmem>> -> memref<32xi32, #tpu.memory_space<vmem>>
    %dma_start3A_372 = arith.constant 0 : i32
    %dma_start3A_373 = arith.constant 0 : i32
    %dma_start3A_374 = tpu.memref_slice %arg2[%dma_start3A_372, %dma_start3A_373] : memref<32768x768xf32, #tpu.memory_space<hbm>> -> memref<32768x768xf32, #tpu.memory_space<hbm>>
    tpu.enqueue_indirect_dma source(%dma_start3A_374 : memref<32768x768xf32, #tpu.memory_space<hbm>>) target(%arg13 : memref<32x768xf32, #tpu.memory_space<vmem>>) offsets(%dma_start3A_371 : memref<32xi32, #tpu.memory_space<vmem>>) semaphore(%arg19 : memref<!tpu.dma_semaphore, #tpu.memory_space<semaphore_mem>>)
    %dma_wait3A_375 = arith.constant 224 : i32
    %dma_wait3A_376 = tpu.memref_slice %arg10[%dma_wait3A_375] : memref<512xi32, #tpu.memory_space<vmem>> -> memref<32xi32, #tpu.memory_space<vmem>>
    %dma_wait3A_377 = arith.constant 0 : i32
    %dma_wait3A_378 = arith.constant 0 : i32
    %dma_wait3A_379 = tpu.memref_slice %arg2[%dma_wait3A_377, %dma_wait3A_378] : memref<32768x768xf32, #tpu.memory_space<hbm>> -> memref<32768x768xf32, #tpu.memory_space<hbm>>
    tpu.wait_indirect_dma semaphore(%arg20 : memref<!tpu.dma_semaphore, #tpu.memory_space<semaphore_mem>>) src(%dma_wait3A_379 : memref<32768x768xf32, #tpu.memory_space<hbm>>) dst(%arg14 : memref<32x768xf32, #tpu.memory_space<vmem>>)
    %add3A_380 = arith.constant 224 : i32
    %add3A_381 = arith.addi %add3A_214, %add3A_380 : i32
    %dma_start3A_382 = arith.constant 0 : i32
    %dma_start3A_383 = tpu.memref_slice %arg5[%add3A_381, %dma_start3A_382] : memref<16384x768xf32, #tpu.memory_space<hbm>> -> memref<32x768xf32, #tpu.memory_space<hbm>>
    %dma_start3A_384 = arith.constant 0 : i32
    %dma_start3A_385 = tpu.memref_slice %arg5[%add3A_381, %dma_start3A_384] : memref<16384x768xf32, #tpu.memory_space<hbm>> -> memref<32x768xf32, #tpu.memory_space<hbm>>
    tpu.enqueue_dma source(%arg14 : memref<32x768xf32, #tpu.memory_space<vmem>>) target(%dma_start3A_385 : memref<32x768xf32, #tpu.memory_space<hbm>>) target_semaphore(%arg24 : memref<!tpu.dma_semaphore, #tpu.memory_space<semaphore_mem>>)
    %dma_wait3A_386 = arith.constant 0 : i32
    %dma_wait3A_387 = tpu.memref_slice %arg5[%add3A_381, %dma_wait3A_386] : memref<16384x768xf32, #tpu.memory_space<hbm>> -> memref<32x768xf32, #tpu.memory_space<hbm>>
    %dma_wait3A_388 = arith.constant 0 : i32
    %dma_wait3A_389 = tpu.memref_slice %arg5[%add3A_381, %dma_wait3A_388] : memref<16384x768xf32, #tpu.memory_space<hbm>> -> memref<32x768xf32, #tpu.memory_space<hbm>>
    tpu.wait_dma2 semaphore(%arg24 : memref<!tpu.dma_semaphore, #tpu.memory_space<semaphore_mem>>) src(%arg14 : memref<32x768xf32, #tpu.memory_space<vmem>>) dst(%dma_wait3A_389 : memref<32x768xf32, #tpu.memory_space<hbm>>)
    %dma_start3A_390 = arith.constant 352 : i32
    %dma_start3A_391 = tpu.memref_slice %arg10[%dma_start3A_390] : memref<512xi32, #tpu.memory_space<vmem>> -> memref<32xi32, #tpu.memory_space<vmem>>
    %dma_start3A_392 = arith.constant 0 : i32
    %dma_start3A_393 = arith.constant 0 : i32
    %dma_start3A_394 = tpu.memref_slice %arg2[%dma_start3A_392, %dma_start3A_393] : memref<32768x768xf32, #tpu.memory_space<hbm>> -> memref<32768x768xf32, #tpu.memory_space<hbm>>
    tpu.enqueue_indirect_dma source(%dma_start3A_394 : memref<32768x768xf32, #tpu.memory_space<hbm>>) target(%arg14 : memref<32x768xf32, #tpu.memory_space<vmem>>) offsets(%dma_start3A_391 : memref<32xi32, #tpu.memory_space<vmem>>) semaphore(%arg20 : memref<!tpu.dma_semaphore, #tpu.memory_space<semaphore_mem>>)
    %dma_wait3A_395 = arith.constant 256 : i32
    %dma_wait3A_396 = tpu.memref_slice %arg10[%dma_wait3A_395] : memref<512xi32, #tpu.memory_space<vmem>> -> memref<32xi32, #tpu.memory_space<vmem>>
    %dma_wait3A_397 = arith.constant 0 : i32
    %dma_wait3A_398 = arith.constant 0 : i32
    %dma_wait3A_399 = tpu.memref_slice %arg2[%dma_wait3A_397, %dma_wait3A_398] : memref<32768x768xf32, #tpu.memory_space<hbm>> -> memref<32768x768xf32, #tpu.memory_space<hbm>>
    tpu.wait_indirect_dma semaphore(%arg17 : memref<!tpu.dma_semaphore, #tpu.memory_space<semaphore_mem>>) src(%dma_wait3A_399 : memref<32768x768xf32, #tpu.memory_space<hbm>>) dst(%arg11 : memref<32x768xf32, #tpu.memory_space<vmem>>)
    %add3A_400 = arith.constant 256 : i32
    %add3A_401 = arith.addi %add3A_214, %add3A_400 : i32
    %dma_start3A_402 = arith.constant 0 : i32
    %dma_start3A_403 = tpu.memref_slice %arg5[%add3A_401, %dma_start3A_402] : memref<16384x768xf32, #tpu.memory_space<hbm>> -> memref<32x768xf32, #tpu.memory_space<hbm>>
    %dma_start3A_404 = arith.constant 0 : i32
    %dma_start3A_405 = tpu.memref_slice %arg5[%add3A_401, %dma_start3A_404] : memref<16384x768xf32, #tpu.memory_space<hbm>> -> memref<32x768xf32, #tpu.memory_space<hbm>>
    tpu.enqueue_dma source(%arg11 : memref<32x768xf32, #tpu.memory_space<vmem>>) target(%dma_start3A_405 : memref<32x768xf32, #tpu.memory_space<hbm>>) target_semaphore(%arg21 : memref<!tpu.dma_semaphore, #tpu.memory_space<semaphore_mem>>)
    %dma_wait3A_406 = arith.constant 0 : i32
    %dma_wait3A_407 = tpu.memref_slice %arg5[%add3A_401, %dma_wait3A_406] : memref<16384x768xf32, #tpu.memory_space<hbm>> -> memref<32x768xf32, #tpu.memory_space<hbm>>
    %dma_wait3A_408 = arith.constant 0 : i32
    %dma_wait3A_409 = tpu.memref_slice %arg5[%add3A_401, %dma_wait3A_408] : memref<16384x768xf32, #tpu.memory_space<hbm>> -> memref<32x768xf32, #tpu.memory_space<hbm>>
    tpu.wait_dma2 semaphore(%arg21 : memref<!tpu.dma_semaphore, #tpu.memory_space<semaphore_mem>>) src(%arg11 : memref<32x768xf32, #tpu.memory_space<vmem>>) dst(%dma_wait3A_409 : memref<32x768xf32, #tpu.memory_space<hbm>>)
    %dma_start3A_410 = arith.constant 384 : i32
    %dma_start3A_411 = tpu.memref_slice %arg10[%dma_start3A_410] : memref<512xi32, #tpu.memory_space<vmem>> -> memref<32xi32, #tpu.memory_space<vmem>>
    %dma_start3A_412 = arith.constant 0 : i32
    %dma_start3A_413 = arith.constant 0 : i32
    %dma_start3A_414 = tpu.memref_slice %arg2[%dma_start3A_412, %dma_start3A_413] : memref<32768x768xf32, #tpu.memory_space<hbm>> -> memref<32768x768xf32, #tpu.memory_space<hbm>>
    tpu.enqueue_indirect_dma source(%dma_start3A_414 : memref<32768x768xf32, #tpu.memory_space<hbm>>) target(%arg11 : memref<32x768xf32, #tpu.memory_space<vmem>>) offsets(%dma_start3A_411 : memref<32xi32, #tpu.memory_space<vmem>>) semaphore(%arg17 : memref<!tpu.dma_semaphore, #tpu.memory_space<semaphore_mem>>)
    %dma_wait3A_415 = arith.constant 288 : i32
    %dma_wait3A_416 = tpu.memref_slice %arg10[%dma_wait3A_415] : memref<512xi32, #tpu.memory_space<vmem>> -> memref<32xi32, #tpu.memory_space<vmem>>
    %dma_wait3A_417 = arith.constant 0 : i32
    %dma_wait3A_418 = arith.constant 0 : i32
    %dma_wait3A_419 = tpu.memref_slice %arg2[%dma_wait3A_417, %dma_wait3A_418] : memref<32768x768xf32, #tpu.memory_space<hbm>> -> memref<32768x768xf32, #tpu.memory_space<hbm>>
    tpu.wait_indirect_dma semaphore(%arg18 : memref<!tpu.dma_semaphore, #tpu.memory_space<semaphore_mem>>) src(%dma_wait3A_419 : memref<32768x768xf32, #tpu.memory_space<hbm>>) dst(%arg12 : memref<32x768xf32, #tpu.memory_space<vmem>>)
    %add3A_420 = arith.constant 288 : i32
    %add3A_421 = arith.addi %add3A_214, %add3A_420 : i32
    %dma_start3A_422 = arith.constant 0 : i32
    %dma_start3A_423 = tpu.memref_slice %arg5[%add3A_421, %dma_start3A_422] : memref<16384x768xf32, #tpu.memory_space<hbm>> -> memref<32x768xf32, #tpu.memory_space<hbm>>
    %dma_start3A_424 = arith.constant 0 : i32
    %dma_start3A_425 = tpu.memref_slice %arg5[%add3A_421, %dma_start3A_424] : memref<16384x768xf32, #tpu.memory_space<hbm>> -> memref<32x768xf32, #tpu.memory_space<hbm>>
    tpu.enqueue_dma source(%arg12 : memref<32x768xf32, #tpu.memory_space<vmem>>) target(%dma_start3A_425 : memref<32x768xf32, #tpu.memory_space<hbm>>) target_semaphore(%arg22 : memref<!tpu.dma_semaphore, #tpu.memory_space<semaphore_mem>>)
    %dma_wait3A_426 = arith.constant 0 : i32
    %dma_wait3A_427 = tpu.memref_slice %arg5[%add3A_421, %dma_wait3A_426] : memref<16384x768xf32, #tpu.memory_space<hbm>> -> memref<32x768xf32, #tpu.memory_space<hbm>>
    %dma_wait3A_428 = arith.constant 0 : i32
    %dma_wait3A_429 = tpu.memref_slice %arg5[%add3A_421, %dma_wait3A_428] : memref<16384x768xf32, #tpu.memory_space<hbm>> -> memref<32x768xf32, #tpu.memory_space<hbm>>
    tpu.wait_dma2 semaphore(%arg22 : memref<!tpu.dma_semaphore, #tpu.memory_space<semaphore_mem>>) src(%arg12 : memref<32x768xf32, #tpu.memory_space<vmem>>) dst(%dma_wait3A_429 : memref<32x768xf32, #tpu.memory_space<hbm>>)
    %dma_start3A_430 = arith.constant 416 : i32
    %dma_start3A_431 = tpu.memref_slice %arg10[%dma_start3A_430] : memref<512xi32, #tpu.memory_space<vmem>> -> memref<32xi32, #tpu.memory_space<vmem>>
    %dma_start3A_432 = arith.constant 0 : i32
    %dma_start3A_433 = arith.constant 0 : i32
    %dma_start3A_434 = tpu.memref_slice %arg2[%dma_start3A_432, %dma_start3A_433] : memref<32768x768xf32, #tpu.memory_space<hbm>> -> memref<32768x768xf32, #tpu.memory_space<hbm>>
    tpu.enqueue_indirect_dma source(%dma_start3A_434 : memref<32768x768xf32, #tpu.memory_space<hbm>>) target(%arg12 : memref<32x768xf32, #tpu.memory_space<vmem>>) offsets(%dma_start3A_431 : memref<32xi32, #tpu.memory_space<vmem>>) semaphore(%arg18 : memref<!tpu.dma_semaphore, #tpu.memory_space<semaphore_mem>>)
    %dma_wait3A_435 = arith.constant 320 : i32
    %dma_wait3A_436 = tpu.memref_slice %arg10[%dma_wait3A_435] : memref<512xi32, #tpu.memory_space<vmem>> -> memref<32xi32, #tpu.memory_space<vmem>>
    %dma_wait3A_437 = arith.constant 0 : i32
    %dma_wait3A_438 = arith.constant 0 : i32
    %dma_wait3A_439 = tpu.memref_slice %arg2[%dma_wait3A_437, %dma_wait3A_438] : memref<32768x768xf32, #tpu.memory_space<hbm>> -> memref<32768x768xf32, #tpu.memory_space<hbm>>
    tpu.wait_indirect_dma semaphore(%arg19 : memref<!tpu.dma_semaphore, #tpu.memory_space<semaphore_mem>>) src(%dma_wait3A_439 : memref<32768x768xf32, #tpu.memory_space<hbm>>) dst(%arg13 : memref<32x768xf32, #tpu.memory_space<vmem>>)
    %add3A_440 = arith.constant 320 : i32
    %add3A_441 = arith.addi %add3A_214, %add3A_440 : i32
    %dma_start3A_442 = arith.constant 0 : i32
    %dma_start3A_443 = tpu.memref_slice %arg5[%add3A_441, %dma_start3A_442] : memref<16384x768xf32, #tpu.memory_space<hbm>> -> memref<32x768xf32, #tpu.memory_space<hbm>>
    %dma_start3A_444 = arith.constant 0 : i32
    %dma_start3A_445 = tpu.memref_slice %arg5[%add3A_441, %dma_start3A_444] : memref<16384x768xf32, #tpu.memory_space<hbm>> -> memref<32x768xf32, #tpu.memory_space<hbm>>
    tpu.enqueue_dma source(%arg13 : memref<32x768xf32, #tpu.memory_space<vmem>>) target(%dma_start3A_445 : memref<32x768xf32, #tpu.memory_space<hbm>>) target_semaphore(%arg23 : memref<!tpu.dma_semaphore, #tpu.memory_space<semaphore_mem>>)
    %dma_wait3A_446 = arith.constant 0 : i32
    %dma_wait3A_447 = tpu.memref_slice %arg5[%add3A_441, %dma_wait3A_446] : memref<16384x768xf32, #tpu.memory_space<hbm>> -> memref<32x768xf32, #tpu.memory_space<hbm>>
    %dma_wait3A_448 = arith.constant 0 : i32
    %dma_wait3A_449 = tpu.memref_slice %arg5[%add3A_441, %dma_wait3A_448] : memref<16384x768xf32, #tpu.memory_space<hbm>> -> memref<32x768xf32, #tpu.memory_space<hbm>>
    tpu.wait_dma2 semaphore(%arg23 : memref<!tpu.dma_semaphore, #tpu.memory_space<semaphore_mem>>) src(%arg13 : memref<32x768xf32, #tpu.memory_space<vmem>>) dst(%dma_wait3A_449 : memref<32x768xf32, #tpu.memory_space<hbm>>)
    %dma_start3A_450 = arith.constant 448 : i32
    %dma_start3A_451 = tpu.memref_slice %arg10[%dma_start3A_450] : memref<512xi32, #tpu.memory_space<vmem>> -> memref<32xi32, #tpu.memory_space<vmem>>
    %dma_start3A_452 = arith.constant 0 : i32
    %dma_start3A_453 = arith.constant 0 : i32
    %dma_start3A_454 = tpu.memref_slice %arg2[%dma_start3A_452, %dma_start3A_453] : memref<32768x768xf32, #tpu.memory_space<hbm>> -> memref<32768x768xf32, #tpu.memory_space<hbm>>
    tpu.enqueue_indirect_dma source(%dma_start3A_454 : memref<32768x768xf32, #tpu.memory_space<hbm>>) target(%arg13 : memref<32x768xf32, #tpu.memory_space<vmem>>) offsets(%dma_start3A_451 : memref<32xi32, #tpu.memory_space<vmem>>) semaphore(%arg19 : memref<!tpu.dma_semaphore, #tpu.memory_space<semaphore_mem>>)
    %dma_wait3A_455 = arith.constant 352 : i32
    %dma_wait3A_456 = tpu.memref_slice %arg10[%dma_wait3A_455] : memref<512xi32, #tpu.memory_space<vmem>> -> memref<32xi32, #tpu.memory_space<vmem>>
    %dma_wait3A_457 = arith.constant 0 : i32
    %dma_wait3A_458 = arith.constant 0 : i32
    %dma_wait3A_459 = tpu.memref_slice %arg2[%dma_wait3A_457, %dma_wait3A_458] : memref<32768x768xf32, #tpu.memory_space<hbm>> -> memref<32768x768xf32, #tpu.memory_space<hbm>>
    tpu.wait_indirect_dma semaphore(%arg20 : memref<!tpu.dma_semaphore, #tpu.memory_space<semaphore_mem>>) src(%dma_wait3A_459 : memref<32768x768xf32, #tpu.memory_space<hbm>>) dst(%arg14 : memref<32x768xf32, #tpu.memory_space<vmem>>)
    %add3A_460 = arith.constant 352 : i32
    %add3A_461 = arith.addi %add3A_214, %add3A_460 : i32
    %dma_start3A_462 = arith.constant 0 : i32
    %dma_start3A_463 = tpu.memref_slice %arg5[%add3A_461, %dma_start3A_462] : memref<16384x768xf32, #tpu.memory_space<hbm>> -> memref<32x768xf32, #tpu.memory_space<hbm>>
    %dma_start3A_464 = arith.constant 0 : i32
    %dma_start3A_465 = tpu.memref_slice %arg5[%add3A_461, %dma_start3A_464] : memref<16384x768xf32, #tpu.memory_space<hbm>> -> memref<32x768xf32, #tpu.memory_space<hbm>>
    tpu.enqueue_dma source(%arg14 : memref<32x768xf32, #tpu.memory_space<vmem>>) target(%dma_start3A_465 : memref<32x768xf32, #tpu.memory_space<hbm>>) target_semaphore(%arg24 : memref<!tpu.dma_semaphore, #tpu.memory_space<semaphore_mem>>)
    %dma_wait3A_466 = arith.constant 0 : i32
    %dma_wait3A_467 = tpu.memref_slice %arg5[%add3A_461, %dma_wait3A_466] : memref<16384x768xf32, #tpu.memory_space<hbm>> -> memref<32x768xf32, #tpu.memory_space<hbm>>
    %dma_wait3A_468 = arith.constant 0 : i32
    %dma_wait3A_469 = tpu.memref_slice %arg5[%add3A_461, %dma_wait3A_468] : memref<16384x768xf32, #tpu.memory_space<hbm>> -> memref<32x768xf32, #tpu.memory_space<hbm>>
    tpu.wait_dma2 semaphore(%arg24 : memref<!tpu.dma_semaphore, #tpu.memory_space<semaphore_mem>>) src(%arg14 : memref<32x768xf32, #tpu.memory_space<vmem>>) dst(%dma_wait3A_469 : memref<32x768xf32, #tpu.memory_space<hbm>>)
    %dma_start3A_470 = arith.constant 480 : i32
    %dma_start3A_471 = tpu.memref_slice %arg10[%dma_start3A_470] : memref<512xi32, #tpu.memory_space<vmem>> -> memref<32xi32, #tpu.memory_space<vmem>>
    %dma_start3A_472 = arith.constant 0 : i32
    %dma_start3A_473 = arith.constant 0 : i32
    %dma_start3A_474 = tpu.memref_slice %arg2[%dma_start3A_472, %dma_start3A_473] : memref<32768x768xf32, #tpu.memory_space<hbm>> -> memref<32768x768xf32, #tpu.memory_space<hbm>>
    tpu.enqueue_indirect_dma source(%dma_start3A_474 : memref<32768x768xf32, #tpu.memory_space<hbm>>) target(%arg14 : memref<32x768xf32, #tpu.memory_space<vmem>>) offsets(%dma_start3A_471 : memref<32xi32, #tpu.memory_space<vmem>>) semaphore(%arg20 : memref<!tpu.dma_semaphore, #tpu.memory_space<semaphore_mem>>)
    %dma_wait3A_475 = arith.constant 384 : i32
    %dma_wait3A_476 = tpu.memref_slice %arg10[%dma_wait3A_475] : memref<512xi32, #tpu.memory_space<vmem>> -> memref<32xi32, #tpu.memory_space<vmem>>
    %dma_wait3A_477 = arith.constant 0 : i32
    %dma_wait3A_478 = arith.constant 0 : i32
    %dma_wait3A_479 = tpu.memref_slice %arg2[%dma_wait3A_477, %dma_wait3A_478] : memref<32768x768xf32, #tpu.memory_space<hbm>> -> memref<32768x768xf32, #tpu.memory_space<hbm>>
    tpu.wait_indirect_dma semaphore(%arg17 : memref<!tpu.dma_semaphore, #tpu.memory_space<semaphore_mem>>) src(%dma_wait3A_479 : memref<32768x768xf32, #tpu.memory_space<hbm>>) dst(%arg11 : memref<32x768xf32, #tpu.memory_space<vmem>>)
    %add3A_480 = arith.constant 384 : i32
    %add3A_481 = arith.addi %add3A_214, %add3A_480 : i32
    %dma_start3A_482 = arith.constant 0 : i32
    %dma_start3A_483 = tpu.memref_slice %arg5[%add3A_481, %dma_start3A_482] : memref<16384x768xf32, #tpu.memory_space<hbm>> -> memref<32x768xf32, #tpu.memory_space<hbm>>
    %dma_start3A_484 = arith.constant 0 : i32
    %dma_start3A_485 = tpu.memref_slice %arg5[%add3A_481, %dma_start3A_484] : memref<16384x768xf32, #tpu.memory_space<hbm>> -> memref<32x768xf32, #tpu.memory_space<hbm>>
    tpu.enqueue_dma source(%arg11 : memref<32x768xf32, #tpu.memory_space<vmem>>) target(%dma_start3A_485 : memref<32x768xf32, #tpu.memory_space<hbm>>) target_semaphore(%arg21 : memref<!tpu.dma_semaphore, #tpu.memory_space<semaphore_mem>>)
    %dma_wait3A_486 = arith.constant 416 : i32
    %dma_wait3A_487 = tpu.memref_slice %arg10[%dma_wait3A_486] : memref<512xi32, #tpu.memory_space<vmem>> -> memref<32xi32, #tpu.memory_space<vmem>>
    %dma_wait3A_488 = arith.constant 0 : i32
    %dma_wait3A_489 = arith.constant 0 : i32
    %dma_wait3A_490 = tpu.memref_slice %arg2[%dma_wait3A_488, %dma_wait3A_489] : memref<32768x768xf32, #tpu.memory_space<hbm>> -> memref<32768x768xf32, #tpu.memory_space<hbm>>
    tpu.wait_indirect_dma semaphore(%arg18 : memref<!tpu.dma_semaphore, #tpu.memory_space<semaphore_mem>>) src(%dma_wait3A_490 : memref<32768x768xf32, #tpu.memory_space<hbm>>) dst(%arg12 : memref<32x768xf32, #tpu.memory_space<vmem>>)
    %add3A_491 = arith.constant 416 : i32
    %add3A_492 = arith.addi %add3A_214, %add3A_491 : i32
    %dma_start3A_493 = arith.constant 0 : i32
    %dma_start3A_494 = tpu.memref_slice %arg5[%add3A_492, %dma_start3A_493] : memref<16384x768xf32, #tpu.memory_space<hbm>> -> memref<32x768xf32, #tpu.memory_space<hbm>>
    %dma_start3A_495 = arith.constant 0 : i32
    %dma_start3A_496 = tpu.memref_slice %arg5[%add3A_492, %dma_start3A_495] : memref<16384x768xf32, #tpu.memory_space<hbm>> -> memref<32x768xf32, #tpu.memory_space<hbm>>
    tpu.enqueue_dma source(%arg12 : memref<32x768xf32, #tpu.memory_space<vmem>>) target(%dma_start3A_496 : memref<32x768xf32, #tpu.memory_space<hbm>>) target_semaphore(%arg22 : memref<!tpu.dma_semaphore, #tpu.memory_space<semaphore_mem>>)
    %dma_wait3A_497 = arith.constant 448 : i32
    %dma_wait3A_498 = tpu.memref_slice %arg10[%dma_wait3A_497] : memref<512xi32, #tpu.memory_space<vmem>> -> memref<32xi32, #tpu.memory_space<vmem>>
    %dma_wait3A_499 = arith.constant 0 : i32
    %dma_wait3A_500 = arith.constant 0 : i32
    %dma_wait3A_501 = tpu.memref_slice %arg2[%dma_wait3A_499, %dma_wait3A_500] : memref<32768x768xf32, #tpu.memory_space<hbm>> -> memref<32768x768xf32, #tpu.memory_space<hbm>>
    tpu.wait_indirect_dma semaphore(%arg19 : memref<!tpu.dma_semaphore, #tpu.memory_space<semaphore_mem>>) src(%dma_wait3A_501 : memref<32768x768xf32, #tpu.memory_space<hbm>>) dst(%arg13 : memref<32x768xf32, #tpu.memory_space<vmem>>)
    %add3A_502 = arith.constant 448 : i32
    %add3A_503 = arith.addi %add3A_214, %add3A_502 : i32
    %dma_start3A_504 = arith.constant 0 : i32
    %dma_start3A_505 = tpu.memref_slice %arg5[%add3A_503, %dma_start3A_504] : memref<16384x768xf32, #tpu.memory_space<hbm>> -> memref<32x768xf32, #tpu.memory_space<hbm>>
    %dma_start3A_506 = arith.constant 0 : i32
    %dma_start3A_507 = tpu.memref_slice %arg5[%add3A_503, %dma_start3A_506] : memref<16384x768xf32, #tpu.memory_space<hbm>> -> memref<32x768xf32, #tpu.memory_space<hbm>>
    tpu.enqueue_dma source(%arg13 : memref<32x768xf32, #tpu.memory_space<vmem>>) target(%dma_start3A_507 : memref<32x768xf32, #tpu.memory_space<hbm>>) target_semaphore(%arg23 : memref<!tpu.dma_semaphore, #tpu.memory_space<semaphore_mem>>)
    %dma_wait3A_508 = arith.constant 480 : i32
    %dma_wait3A_509 = tpu.memref_slice %arg10[%dma_wait3A_508] : memref<512xi32, #tpu.memory_space<vmem>> -> memref<32xi32, #tpu.memory_space<vmem>>
    %dma_wait3A_510 = arith.constant 0 : i32
    %dma_wait3A_511 = arith.constant 0 : i32
    %dma_wait3A_512 = tpu.memref_slice %arg2[%dma_wait3A_510, %dma_wait3A_511] : memref<32768x768xf32, #tpu.memory_space<hbm>> -> memref<32768x768xf32, #tpu.memory_space<hbm>>
    tpu.wait_indirect_dma semaphore(%arg20 : memref<!tpu.dma_semaphore, #tpu.memory_space<semaphore_mem>>) src(%dma_wait3A_512 : memref<32768x768xf32, #tpu.memory_space<hbm>>) dst(%arg14 : memref<32x768xf32, #tpu.memory_space<vmem>>)
    %add3A_513 = arith.constant 480 : i32
    %add3A_514 = arith.addi %add3A_214, %add3A_513 : i32
    %dma_start3A_515 = arith.constant 0 : i32
    %dma_start3A_516 = tpu.memref_slice %arg5[%add3A_514, %dma_start3A_515] : memref<16384x768xf32, #tpu.memory_space<hbm>> -> memref<32x768xf32, #tpu.memory_space<hbm>>
    %dma_start3A_517 = arith.constant 0 : i32
    %dma_start3A_518 = tpu.memref_slice %arg5[%add3A_514, %dma_start3A_517] : memref<16384x768xf32, #tpu.memory_space<hbm>> -> memref<32x768xf32, #tpu.memory_space<hbm>>
    tpu.enqueue_dma source(%arg14 : memref<32x768xf32, #tpu.memory_space<vmem>>) target(%dma_start3A_518 : memref<32x768xf32, #tpu.memory_space<hbm>>) target_semaphore(%arg24 : memref<!tpu.dma_semaphore, #tpu.memory_space<semaphore_mem>>)
    %dma_wait3A_519 = arith.constant 0 : i32
    %dma_wait3A_520 = tpu.memref_slice %arg5[%add3A_481, %dma_wait3A_519] : memref<16384x768xf32, #tpu.memory_space<hbm>> -> memref<32x768xf32, #tpu.memory_space<hbm>>
    %dma_wait3A_521 = arith.constant 0 : i32
    %dma_wait3A_522 = tpu.memref_slice %arg5[%add3A_481, %dma_wait3A_521] : memref<16384x768xf32, #tpu.memory_space<hbm>> -> memref<32x768xf32, #tpu.memory_space<hbm>>
    tpu.wait_dma2 semaphore(%arg21 : memref<!tpu.dma_semaphore, #tpu.memory_space<semaphore_mem>>) src(%arg11 : memref<32x768xf32, #tpu.memory_space<vmem>>) dst(%dma_wait3A_522 : memref<32x768xf32, #tpu.memory_space<hbm>>)
    %dma_wait3A_523 = arith.constant 0 : i32
    %dma_wait3A_524 = tpu.memref_slice %arg5[%add3A_492, %dma_wait3A_523] : memref<16384x768xf32, #tpu.memory_space<hbm>> -> memref<32x768xf32, #tpu.memory_space<hbm>>
    %dma_wait3A_525 = arith.constant 0 : i32
    %dma_wait3A_526 = tpu.memref_slice %arg5[%add3A_492, %dma_wait3A_525] : memref<16384x768xf32, #tpu.memory_space<hbm>> -> memref<32x768xf32, #tpu.memory_space<hbm>>
    tpu.wait_dma2 semaphore(%arg22 : memref<!tpu.dma_semaphore, #tpu.memory_space<semaphore_mem>>) src(%arg12 : memref<32x768xf32, #tpu.memory_space<vmem>>) dst(%dma_wait3A_526 : memref<32x768xf32, #tpu.memory_space<hbm>>)
    %dma_wait3A_527 = arith.constant 0 : i32
    %dma_wait3A_528 = tpu.memref_slice %arg5[%add3A_503, %dma_wait3A_527] : memref<16384x768xf32, #tpu.memory_space<hbm>> -> memref<32x768xf32, #tpu.memory_space<hbm>>
    %dma_wait3A_529 = arith.constant 0 : i32
    %dma_wait3A_530 = tpu.memref_slice %arg5[%add3A_503, %dma_wait3A_529] : memref<16384x768xf32, #tpu.memory_space<hbm>> -> memref<32x768xf32, #tpu.memory_space<hbm>>
    tpu.wait_dma2 semaphore(%arg23 : memref<!tpu.dma_semaphore, #tpu.memory_space<semaphore_mem>>) src(%arg13 : memref<32x768xf32, #tpu.memory_space<vmem>>) dst(%dma_wait3A_530 : memref<32x768xf32, #tpu.memory_space<hbm>>)
    %dma_wait3A_531 = arith.constant 0 : i32
    %dma_wait3A_532 = tpu.memref_slice %arg5[%add3A_514, %dma_wait3A_531] : memref<16384x768xf32, #tpu.memory_space<hbm>> -> memref<32x768xf32, #tpu.memory_space<hbm>>
    %dma_wait3A_533 = arith.constant 0 : i32
    %dma_wait3A_534 = tpu.memref_slice %arg5[%add3A_514, %dma_wait3A_533] : memref<16384x768xf32, #tpu.memory_space<hbm>> -> memref<32x768xf32, #tpu.memory_space<hbm>>
    tpu.wait_dma2 semaphore(%arg24 : memref<!tpu.dma_semaphore, #tpu.memory_space<semaphore_mem>>) src(%arg14 : memref<32x768xf32, #tpu.memory_space<vmem>>) dst(%dma_wait3A_534 : memref<32x768xf32, #tpu.memory_space<hbm>>)
    return
  }
}

module attributes {stable_mosaic.version = 14 : i64} {
  func.func @_imp_kernel(%arg0: i32, %arg1: i32, %arg2: memref<1x4096x768xf32, #tpu.memory_space<vmem>>, %arg3: memref<4x8x1024xi32, #tpu.memory_space<vmem>>, %arg4: memref<4x8x4x16xi32, #tpu.memory_space<vmem>>, %arg5: memref<4x8x1024xi32, #tpu.memory_space<vmem>>) attributes {dimension_semantics = [#tpu.dimension_semantics<arbitrary>, #tpu.dimension_semantics<arbitrary>], iteration_bounds = array<i64: 4, 2>, scalar_prefetch = 0 : i64, scratch_operands = 0 : i64, tpu.core_type = #tpu.core_type<tc>, window_params = [{transform_indices = @transform_0, window_bounds = array<i64: 1, 4096, 768>}, {pipeline_mode = #tpu.pipeline_mode<synchronous>, transform_indices = @transform_1, window_bounds = array<i64: 4, 8, 1024>}, {pipeline_mode = #tpu.pipeline_mode<synchronous>, transform_indices = @transform_2, window_bounds = array<i64: 4, 8, 4, 16>}, {pipeline_mode = #tpu.pipeline_mode<synchronous>, transform_indices = @transform_3, window_bounds = array<i64: 4, 8, 1024>}]} {
    %get3A = arith.constant 0 : index
    %get3A_0 = arith.constant 0 : index
    %get3A_1 = arith.constant 0 : index
    %get3A_2 = vector.load %arg2[%get3A, %get3A_0, %get3A_1] : memref<1x4096x768xf32, #tpu.memory_space<vmem>>, vector<1x4096x768xf32>
    %get3A_3 = vector.shape_cast %get3A_2 : vector<1x4096x768xf32> to vector<4096x768xf32>
    %mul3A = arith.mulf %get3A_3, %get3A_3 : vector<4096x768xf32>
    %reduce_sum3A = arith.constant dense<0.000000e+00> : vector<4096xf32>
    %reduce_sum3A_4 = vector.multi_reduction <add>, %mul3A, %reduce_sum3A [1] : vector<4096x768xf32> to vector<4096xf32>
    %sqrt3A = math.sqrt %reduce_sum3A_4 : vector<4096xf32>
    %bitcast_convert_type3A = tpu.bitcast %sqrt3A : vector<4096xf32> -> vector<4096xi32>
    %slice3A = vector.extract_strided_slice %bitcast_convert_type3A {offsets = [0], sizes = [1024], strides = [1]} : vector<4096xi32> to vector<1024xi32>
    %mul3A_5 = arith.constant 4 : i32
    %mul3A_6 = arith.muli %arg1, %mul3A_5 : i32
    %add3A = arith.constant 0 : i32
    %add3A_7 = arith.addi %mul3A_6, %add3A : i32
    %swap3A = arith.index_cast %arg0 : i32 to index
    %swap3A_8 = arith.index_cast %add3A_7 : i32 to index
    %swap3A_9 = arith.constant 0 : index
    %swap3A_10 = vector.load %arg3[%swap3A, %swap3A_8, %swap3A_9] : memref<4x8x1024xi32, #tpu.memory_space<vmem>>, vector<1x1x1024xi32>
    %swap3A_11 = vector.shape_cast %swap3A_10 : vector<1x1x1024xi32> to vector<1024xi32>
    %swap3A_12 = vector.shape_cast %slice3A : vector<1024xi32> to vector<1x1x1024xi32>
    tpu.vector_store %arg3[%swap3A, %swap3A_8, %swap3A_9], %swap3A_12 {strides = array<i32>} : memref<4x8x1024xi32, #tpu.memory_space<vmem>>, vector<1x1x1024xi32>,
    %slice3A_13 = vector.extract_strided_slice %bitcast_convert_type3A {offsets = [1024], sizes = [1024], strides = [1]} : vector<4096xi32> to vector<1024xi32>
    %mul3A_14 = arith.constant 4 : i32
    %mul3A_15 = arith.muli %arg1, %mul3A_14 : i32
    %add3A_16 = arith.constant 1 : i32
    %add3A_17 = arith.addi %mul3A_15, %add3A_16 : i32
    %swap3A_18 = arith.index_cast %arg0 : i32 to index
    %swap3A_19 = arith.index_cast %add3A_17 : i32 to index
    %swap3A_20 = arith.constant 0 : index
    %swap3A_21 = vector.load %arg3[%swap3A_18, %swap3A_19, %swap3A_20] : memref<4x8x1024xi32, #tpu.memory_space<vmem>>, vector<1x1x1024xi32>
    %swap3A_22 = vector.shape_cast %swap3A_21 : vector<1x1x1024xi32> to vector<1024xi32>
    %swap3A_23 = vector.shape_cast %slice3A_13 : vector<1024xi32> to vector<1x1x1024xi32>
    tpu.vector_store %arg3[%swap3A_18, %swap3A_19, %swap3A_20], %swap3A_23 {strides = array<i32>} : memref<4x8x1024xi32, #tpu.memory_space<vmem>>, vector<1x1x1024xi32>,
    %slice3A_24 = vector.extract_strided_slice %bitcast_convert_type3A {offsets = [2048], sizes = [1024], strides = [1]} : vector<4096xi32> to vector<1024xi32>
    %mul3A_25 = arith.constant 4 : i32
    %mul3A_26 = arith.muli %arg1, %mul3A_25 : i32
    %add3A_27 = arith.constant 2 : i32
    %add3A_28 = arith.addi %mul3A_26, %add3A_27 : i32
    %swap3A_29 = arith.index_cast %arg0 : i32 to index
    %swap3A_30 = arith.index_cast %add3A_28 : i32 to index
    %swap3A_31 = arith.constant 0 : index
    %swap3A_32 = vector.load %arg3[%swap3A_29, %swap3A_30, %swap3A_31] : memref<4x8x1024xi32, #tpu.memory_space<vmem>>, vector<1x1x1024xi32>
    %swap3A_33 = vector.shape_cast %swap3A_32 : vector<1x1x1024xi32> to vector<1024xi32>
    %swap3A_34 = vector.shape_cast %slice3A_24 : vector<1024xi32> to vector<1x1x1024xi32>
    tpu.vector_store %arg3[%swap3A_29, %swap3A_30, %swap3A_31], %swap3A_34 {strides = array<i32>} : memref<4x8x1024xi32, #tpu.memory_space<vmem>>, vector<1x1x1024xi32>,
    %slice3A_35 = vector.extract_strided_slice %bitcast_convert_type3A {offsets = [3072], sizes = [1024], strides = [1]} : vector<4096xi32> to vector<1024xi32>
    %mul3A_36 = arith.constant 4 : i32
    %mul3A_37 = arith.muli %arg1, %mul3A_36 : i32
    %add3A_38 = arith.constant 3 : i32
    %add3A_39 = arith.addi %mul3A_37, %add3A_38 : i32
    %swap3A_40 = arith.index_cast %arg0 : i32 to index
    %swap3A_41 = arith.index_cast %add3A_39 : i32 to index
    %swap3A_42 = arith.constant 0 : index
    %swap3A_43 = vector.load %arg3[%swap3A_40, %swap3A_41, %swap3A_42] : memref<4x8x1024xi32, #tpu.memory_space<vmem>>, vector<1x1x1024xi32>
    %swap3A_44 = vector.shape_cast %swap3A_43 : vector<1x1x1024xi32> to vector<1024xi32>
    %swap3A_45 = vector.shape_cast %slice3A_35 : vector<1024xi32> to vector<1x1x1024xi32>
    tpu.vector_store %arg3[%swap3A_40, %swap3A_41, %swap3A_42], %swap3A_45 {strides = array<i32>} : memref<4x8x1024xi32, #tpu.memory_space<vmem>>, vector<1x1x1024xi32>,
    %eq3A = arith.constant 3 : i32
    %eq3A_46 = arith.cmpi eq, %arg0, %eq3A : i32
    %eq3A_47 = arith.constant 1 : i32
    %eq3A_48 = arith.cmpi eq, %arg1, %eq3A_47 : i32
    %and3A = arith.andi %eq3A_46, %eq3A_48 : i1
    %convert_element_type3A = arith.extui %and3A : i1 to i32
    %cond3A = arith.constant 0 : i32
    %cond3A_49 = arith.cmpi ne, %convert_element_type3A, %cond3A : i32
    scf.if %cond3A_49 {
      %get3A_50 = arith.constant 0 : index
      %get3A_51 = arith.constant 0 : index
      %get3A_52 = arith.constant 0 : index
      %get3A_53 = vector.load %arg3[%get3A_50, %get3A_51, %get3A_52] : memref<4x8x1024xi32, #tpu.memory_space<vmem>>, vector<4x8x1024xi32>
      %broadcast_in_dim3A = arith.constant 0 : i32
      %broadcast_in_dim3A_54 = vector.broadcast %broadcast_in_dim3A : i32 to vector<4x1x1xi32>
      %broadcast_in_dim3A_55 = arith.constant 2147483647 : i32
      %broadcast_in_dim3A_56 = vector.broadcast %broadcast_in_dim3A_55 : i32 to vector<4x1x1xi32>
      %scan3A = arith.constant 0 : i32
      %scan3A_57 = arith.constant 31 : i32
      %scan3A_58 = arith.addi %scan3A, %scan3A_57 : i32
      %scan3A_59 = arith.constant 1 : i32
      %scan3A_60:2 = scf.for %scan3A_174 = %scan3A to %scan3A_58 step %scan3A_59 iter_args(%scan3A_175 = %broadcast_in_dim3A_54, %scan3A_176 = %broadcast_in_dim3A_56) -> (vector<4x1x1xi32>, vector<4x1x1xi32>)  : i32 {
        %sub3A_177 = arith.subi %scan3A_176, %scan3A_175 : vector<4x1x1xi32>
        %shift_right_logical3A = arith.constant 1 : i32
        %shift_right_logical3A_178 = vector.broadcast %shift_right_logical3A : i32 to vector<4x1x1xi32>
        %shift_right_logical3A_179 = arith.shrui %sub3A_177, %shift_right_logical3A_178 : vector<4x1x1xi32>
        %add3A_180 = arith.addi %scan3A_175, %shift_right_logical3A_179 : vector<4x1x1xi32>
        %gt3A_181 = vector.broadcast %add3A_180 : vector<4x1x1xi32> to vector<4x8x1024xi32>
        %gt3A_182 = arith.cmpi sgt, %get3A_53, %gt3A_181 : vector<4x8x1024xi32>
        %convert_element_type3A_183 = arith.extui %gt3A_182 : vector<4x8x1024xi1> to vector<4x8x1024xi32>
        %reduce_sum3A_184 = arith.constant dense<0> : vector<4x8xi32>
        %reduce_sum3A_185 = vector.multi_reduction <add>, %convert_element_type3A_183, %reduce_sum3A_184 [2] : vector<4x8x1024xi32> to vector<4x8xi32>
        %broadcast_in_dim3A_186 = vector.shape_cast %reduce_sum3A_185 : vector<4x8xi32> to vector<4x8x1xi32>
        %reduce_sum3A_187 = arith.constant dense<0> : vector<4x1xi32>
        %reduce_sum3A_188 = vector.multi_reduction <add>, %broadcast_in_dim3A_186, %reduce_sum3A_187 [1] : vector<4x8x1xi32> to vector<4x1xi32>
        %broadcast_in_dim3A_189 = vector.shape_cast %reduce_sum3A_188 : vector<4x1xi32> to vector<4x1x1xi32>
        %ge3A = arith.constant 4096 : i32
        %ge3A_190 = vector.broadcast %ge3A : i32 to vector<4x1x1xi32>
        %ge3A_191 = arith.cmpi sge, %broadcast_in_dim3A_189, %ge3A_190 : vector<4x1x1xi32>
        %add3A_192 = arith.constant 1 : i32
        %add3A_193 = vector.broadcast %add3A_192 : i32 to vector<4x1x1xi32>
        %add3A_194 = arith.addi %add3A_180, %add3A_193 : vector<4x1x1xi32>
        %select_n3A_195 = arith.select %ge3A_191, %add3A_194, %scan3A_175 : vector<4x1x1xi1>, vector<4x1x1xi32>
        %select_n3A_196 = arith.select %ge3A_191, %scan3A_176, %add3A_180 : vector<4x1x1xi1>, vector<4x1x1xi32>
        scf.yield %select_n3A_195, %select_n3A_196 : vector<4x1x1xi32>, vector<4x1x1xi32>
      }
      %gt3A = vector.broadcast %scan3A_60#0 : vector<4x1x1xi32> to vector<4x8x1024xi32>
      %gt3A_61 = arith.cmpi sgt, %get3A_53, %gt3A : vector<4x8x1024xi32>
      %convert_element_type3A_62 = arith.extui %gt3A_61 : vector<4x8x1024xi1> to vector<4x8x1024xi32>
      %eq3A_63 = vector.broadcast %scan3A_60#0 : vector<4x1x1xi32> to vector<4x8x1024xi32>
      %eq3A_64 = arith.cmpi eq, %get3A_53, %eq3A_63 : vector<4x8x1024xi32>
      %convert_element_type3A_65 = arith.extui %eq3A_64 : vector<4x8x1024xi1> to vector<4x8x1024xi32>
      %reduce_sum3A_66 = arith.constant dense<0> : vector<4x8xi32>
      %reduce_sum3A_67 = vector.multi_reduction <add>, %convert_element_type3A_62, %reduce_sum3A_66 [2] : vector<4x8x1024xi32> to vector<4x8xi32>
      %broadcast_in_dim3A_68 = vector.shape_cast %reduce_sum3A_67 : vector<4x8xi32> to vector<4x8x1xi32>
      %reduce_sum3A_69 = arith.constant dense<0> : vector<4x8xi32>
      %reduce_sum3A_70 = vector.multi_reduction <add>, %convert_element_type3A_65, %reduce_sum3A_69 [2] : vector<4x8x1024xi32> to vector<4x8xi32>
      %broadcast_in_dim3A_71 = vector.shape_cast %reduce_sum3A_70 : vector<4x8xi32> to vector<4x8x1xi32>
      %reduce_sum3A_72 = arith.constant dense<0> : vector<4x1xi32>
      %reduce_sum3A_73 = vector.multi_reduction <add>, %broadcast_in_dim3A_68, %reduce_sum3A_72 [1] : vector<4x8x1xi32> to vector<4x1xi32>
      %broadcast_in_dim3A_74 = vector.shape_cast %reduce_sum3A_73 : vector<4x1xi32> to vector<4x1x1xi32>
      %sub3A = arith.constant 4096 : i32
      %sub3A_75 = vector.broadcast %sub3A : i32 to vector<4x1x1xi32>
      %sub3A_76 = arith.subi %sub3A_75, %broadcast_in_dim3A_74 : vector<4x1x1xi32>
      %broadcast_in_dim3A_77 = arith.constant 0 : i32
      %broadcast_in_dim3A_78 = vector.broadcast %broadcast_in_dim3A_77 : i32 to vector<4x1x1xi32>
      %slice3A_79 = vector.extract_strided_slice %broadcast_in_dim3A_71 {offsets = [0, 0, 0], sizes = [4, 7, 1], strides = [1, 1, 1]} : vector<4x8x1xi32> to vector<4x7x1xi32>
      %concatenate3A = tpu.concatenate %broadcast_in_dim3A_78, %slice3A_79 in 1 : vector<4x1x1xi32>, vector<4x7x1xi32> -> vector<4x8x1xi32>
      %add3A_80 = arith.addi %broadcast_in_dim3A_71, %concatenate3A : vector<4x8x1xi32>
      %broadcast_in_dim3A_81 = arith.constant 0 : i32
      %broadcast_in_dim3A_82 = vector.broadcast %broadcast_in_dim3A_81 : i32 to vector<4x2x1xi32>
      %slice3A_83 = vector.extract_strided_slice %add3A_80 {offsets = [0, 0, 0], sizes = [4, 6, 1], strides = [1, 1, 1]} : vector<4x8x1xi32> to vector<4x6x1xi32>
      %concatenate3A_84 = tpu.concatenate %broadcast_in_dim3A_82, %slice3A_83 in 1 : vector<4x2x1xi32>, vector<4x6x1xi32> -> vector<4x8x1xi32>
      %add3A_85 = arith.addi %add3A_80, %concatenate3A_84 : vector<4x8x1xi32>
      %broadcast_in_dim3A_86 = arith.constant 0 : i32
      %broadcast_in_dim3A_87 = vector.broadcast %broadcast_in_dim3A_86 : i32 to vector<4x4x1xi32>
      %slice3A_88 = vector.extract_strided_slice %add3A_85 {offsets = [0, 0, 0], sizes = [4, 4, 1], strides = [1, 1, 1]} : vector<4x8x1xi32> to vector<4x4x1xi32>
      %concatenate3A_89 = tpu.concatenate %broadcast_in_dim3A_87, %slice3A_88 in 1 : vector<4x4x1xi32>, vector<4x4x1xi32> -> vector<4x8x1xi32>
      %add3A_90 = arith.addi %add3A_85, %concatenate3A_89 : vector<4x8x1xi32>
      %sub3A_91 = arith.subi %add3A_90, %broadcast_in_dim3A_71 : vector<4x8x1xi32>
      %sub3A_92 = vector.broadcast %sub3A_76 : vector<4x1x1xi32> to vector<4x8x1xi32>
      %sub3A_93 = arith.subi %sub3A_92, %sub3A_91 : vector<4x8x1xi32>
      %jit3A = arith.constant 0 : i32
      %max3A = vector.broadcast %jit3A : i32 to vector<4x8x1xi32>
      %max3A_94 = arith.maxsi %max3A, %sub3A_93 : vector<4x8x1xi32>
      %min3A = arith.minsi %broadcast_in_dim3A_71, %max3A_94 : vector<4x8x1xi32>
      %add3A_95 = arith.addi %broadcast_in_dim3A_68, %min3A : vector<4x8x1xi32>
      %broadcast_in_dim3A_96 = arith.constant 0 : i32
      %broadcast_in_dim3A_97 = vector.broadcast %broadcast_in_dim3A_96 : i32 to vector<4x1x1xi32>
      %slice3A_98 = vector.extract_strided_slice %add3A_95 {offsets = [0, 0, 0], sizes = [4, 7, 1], strides = [1, 1, 1]} : vector<4x8x1xi32> to vector<4x7x1xi32>
      %concatenate3A_99 = tpu.concatenate %broadcast_in_dim3A_97, %slice3A_98 in 1 : vector<4x1x1xi32>, vector<4x7x1xi32> -> vector<4x8x1xi32>
      %add3A_100 = arith.addi %add3A_95, %concatenate3A_99 : vector<4x8x1xi32>
      %broadcast_in_dim3A_101 = arith.constant 0 : i32
      %broadcast_in_dim3A_102 = vector.broadcast %broadcast_in_dim3A_101 : i32 to vector<4x2x1xi32>
      %slice3A_103 = vector.extract_strided_slice %add3A_100 {offsets = [0, 0, 0], sizes = [4, 6, 1], strides = [1, 1, 1]} : vector<4x8x1xi32> to vector<4x6x1xi32>
      %concatenate3A_104 = tpu.concatenate %broadcast_in_dim3A_102, %slice3A_103 in 1 : vector<4x2x1xi32>, vector<4x6x1xi32> -> vector<4x8x1xi32>
      %add3A_105 = arith.addi %add3A_100, %concatenate3A_104 : vector<4x8x1xi32>
      %broadcast_in_dim3A_106 = arith.constant 0 : i32
      %broadcast_in_dim3A_107 = vector.broadcast %broadcast_in_dim3A_106 : i32 to vector<4x4x1xi32>
      %slice3A_108 = vector.extract_strided_slice %add3A_105 {offsets = [0, 0, 0], sizes = [4, 4, 1], strides = [1, 1, 1]} : vector<4x8x1xi32> to vector<4x4x1xi32>
      %concatenate3A_109 = tpu.concatenate %broadcast_in_dim3A_107, %slice3A_108 in 1 : vector<4x4x1xi32>, vector<4x4x1xi32> -> vector<4x8x1xi32>
      %add3A_110 = arith.addi %add3A_105, %concatenate3A_109 : vector<4x8x1xi32>
      %sub3A_111 = arith.subi %add3A_110, %add3A_95 : vector<4x8x1xi32>
      %iota3A = tpu.iota {dimensions = array<i32: 0>} : vector<1024x1024xi32>
      %iota3A_112 = tpu.iota {dimensions = array<i32: 1>} : vector<1024x1024xi32>
      %lt3A = arith.cmpi slt, %iota3A, %iota3A_112 : vector<1024x1024xi32>
      %convert_element_type3A_113 = arith.extui %lt3A : vector<1024x1024xi1> to vector<1024x1024xi32>
      %convert_element_type3A_114 = arith.sitofp %convert_element_type3A_113 : vector<1024x1024xi32> to vector<1024x1024xf32>
      %convert_element_type3A_115 = arith.sitofp %convert_element_type3A_65 : vector<4x8x1024xi32> to vector<4x8x1024xf32>
      %reshape3A = vector.shape_cast %convert_element_type3A_115 : vector<4x8x1024xf32> to vector<32x1024xf32>
      %dot_general3A = arith.constant dense<0.000000e+00> : vector<32x1024xf32>
      %dot_general3A_116 = tpu.matmul %reshape3A, %convert_element_type3A_114, %dot_general3A {dimension_numbers = #tpu.dot_dimension_numbers<[1], [0], [0], [1], [0, 0, 1, 1], [], []>, transpose_lhs_hint = false} : vector<32x1024xf32>, vector<1024x1024xf32>, vector<32x1024xf32> -> vector<32x1024xf32>
      %convert_element_type3A_117 = arith.fptosi %dot_general3A_116 : vector<32x1024xf32> to vector<32x1024xi32>
      %reshape3A_118 = vector.shape_cast %convert_element_type3A_117 : vector<32x1024xi32> to vector<4x8x1024xi32>
      %add3A_119 = vector.broadcast %sub3A_91 : vector<4x8x1xi32> to vector<4x8x1024xi32>
      %add3A_120 = arith.addi %reshape3A_118, %add3A_119 : vector<4x8x1024xi32>
      %gt3A_121 = vector.broadcast %scan3A_60#0 : vector<4x1x1xi32> to vector<4x8x1024xi32>
      %gt3A_122 = arith.cmpi sgt, %get3A_53, %gt3A_121 : vector<4x8x1024xi32>
      %eq3A_123 = arith.constant 1 : i32
      %eq3A_124 = vector.broadcast %eq3A_123 : i32 to vector<4x8x1024xi32>
      %eq3A_125 = arith.cmpi eq, %convert_element_type3A_65, %eq3A_124 : vector<4x8x1024xi32>
      %lt3A_126 = vector.broadcast %sub3A_76 : vector<4x1x1xi32> to vector<4x8x1024xi32>
      %lt3A_127 = arith.cmpi slt, %add3A_120, %lt3A_126 : vector<4x8x1024xi32>
      %and3A_128 = arith.andi %eq3A_125, %lt3A_127 : vector<4x8x1024xi1>
      %or3A = arith.ori %gt3A_122, %and3A_128 : vector<4x8x1024xi1>
      %swap3A_129 = arith.constant 0 : index
      %swap3A_130 = arith.constant 0 : index
      %swap3A_131 = arith.constant 0 : index
      %swap3A_132 = vector.load %arg5[%swap3A_129, %swap3A_130, %swap3A_131] : memref<4x8x1024xi32, #tpu.memory_space<vmem>>, vector<4x8x1024xi32>
      %swap3A_133 = arith.extui %or3A : vector<4x8x1024xi1> to vector<4x8x1024xi32>
      %swap3A_134 = arith.constant dense<0> : vector<4x8x1024xi32>
      %swap3A_135 = arith.cmpi ne, %swap3A_132, %swap3A_134 : vector<4x8x1024xi32>
      tpu.vector_store %arg5[%swap3A_129, %swap3A_130, %swap3A_131], %swap3A_133 {strides = array<i32>} : memref<4x8x1024xi32, #tpu.memory_space<vmem>>, vector<4x8x1024xi32>,
      %iota3A_136 = tpu.iota {dimensions = array<i32: 2>} : vector<4x8x4x16xi32>
      %iota3A_137 = tpu.iota {dimensions = array<i32: 0>} : vector<4x8x4x16xi32>
      %mul3A_138 = arith.constant 4096 : i32
      %mul3A_139 = vector.broadcast %mul3A_138 : i32 to vector<4x8x4x16xi32>
      %mul3A_140 = arith.muli %iota3A_137, %mul3A_139 : vector<4x8x4x16xi32>
      %eq3A_141 = arith.constant 0 : i32
      %eq3A_142 = vector.broadcast %eq3A_141 : i32 to vector<4x8x4x16xi32>
      %eq3A_143 = arith.cmpi eq, %iota3A_136, %eq3A_142 : vector<4x8x4x16xi32>
      %broadcast_in_dim3A_144 = vector.shape_cast %scan3A_60#0 : vector<4x1x1xi32> to vector<4x1x1xi32>
      %broadcast_in_dim3A_145 = vector.broadcast %broadcast_in_dim3A_144 : vector<4x1x1xi32> to vector<4x8x1xi32>
      %broadcast_in_dim3A_146 = vector.shape_cast %broadcast_in_dim3A_145 : vector<4x8x1xi32> to vector<4x8x1x1xi32>
      %broadcast_in_dim3A_147 = vector.shape_cast %broadcast_in_dim3A_146 : vector<4x8x1x1xi32> to vector<4x8x1x1xi32>
      %broadcast_in_dim3A_148 = vector.broadcast %broadcast_in_dim3A_147 : vector<4x8x1x1xi32> to vector<4x8x4x16xi32>
      %eq3A_149 = arith.constant 1 : i32
      %eq3A_150 = vector.broadcast %eq3A_149 : i32 to vector<4x8x4x16xi32>
      %eq3A_151 = arith.cmpi eq, %iota3A_136, %eq3A_150 : vector<4x8x4x16xi32>
      %sub3A_152 = vector.broadcast %sub3A_76 : vector<4x1x1xi32> to vector<4x8x1xi32>
      %sub3A_153 = arith.subi %sub3A_152, %sub3A_91 : vector<4x8x1xi32>
      %broadcast_in_dim3A_154 = vector.shape_cast %sub3A_153 : vector<4x8x1xi32> to vector<4x8x1x1xi32>
      %broadcast_in_dim3A_155 = vector.shape_cast %broadcast_in_dim3A_154 : vector<4x8x1x1xi32> to vector<4x8x1x1xi32>
      %broadcast_in_dim3A_156 = vector.broadcast %broadcast_in_dim3A_155 : vector<4x8x1x1xi32> to vector<4x8x4x16xi32>
      %eq3A_157 = arith.constant 2 : i32
      %eq3A_158 = vector.broadcast %eq3A_157 : i32 to vector<4x8x4x16xi32>
      %eq3A_159 = arith.cmpi eq, %iota3A_136, %eq3A_158 : vector<4x8x4x16xi32>
      %broadcast_in_dim3A_160 = vector.shape_cast %sub3A_111 : vector<4x8x1xi32> to vector<4x8x1x1xi32>
      %broadcast_in_dim3A_161 = vector.shape_cast %broadcast_in_dim3A_160 : vector<4x8x1x1xi32> to vector<4x8x1x1xi32>
      %broadcast_in_dim3A_162 = vector.broadcast %broadcast_in_dim3A_161 : vector<4x8x1x1xi32> to vector<4x8x4x16xi32>
      %add3A_163 = arith.addi %broadcast_in_dim3A_162, %mul3A_140 : vector<4x8x4x16xi32>
      %broadcast_in_dim3A_164 = vector.shape_cast %add3A_95 : vector<4x8x1xi32> to vector<4x8x1x1xi32>
      %broadcast_in_dim3A_165 = vector.shape_cast %broadcast_in_dim3A_164 : vector<4x8x1x1xi32> to vector<4x8x1x1xi32>
      %broadcast_in_dim3A_166 = vector.broadcast %broadcast_in_dim3A_165 : vector<4x8x1x1xi32> to vector<4x8x4x16xi32>
      %select_n3A = arith.select %eq3A_159, %add3A_163, %broadcast_in_dim3A_166 : vector<4x8x4x16xi1>, vector<4x8x4x16xi32>
      %select_n3A_167 = arith.select %eq3A_151, %broadcast_in_dim3A_156, %select_n3A : vector<4x8x4x16xi1>, vector<4x8x4x16xi32>
      %select_n3A_168 = arith.select %eq3A_143, %broadcast_in_dim3A_148, %select_n3A_167 : vector<4x8x4x16xi1>, vector<4x8x4x16xi32>
      %swap3A_169 = arith.constant 0 : index
      %swap3A_170 = arith.constant 0 : index
      %swap3A_171 = arith.constant 0 : index
      %swap3A_172 = arith.constant 0 : index
      %swap3A_173 = vector.load %arg4[%swap3A_169, %swap3A_170, %swap3A_171, %swap3A_172] : memref<4x8x4x16xi32, #tpu.memory_space<vmem>>, vector<4x8x4x16xi32>
      tpu.vector_store %arg4[%swap3A_169, %swap3A_170, %swap3A_171, %swap3A_172], %select_n3A_168 {strides = array<i32>} : memref<4x8x4x16xi32, #tpu.memory_space<vmem>>, vector<4x8x4x16xi32>,
    } else {
    }
    return
  }
  func.func @transform_0(%arg0: i32, %arg1: i32) -> (i32, i32, i32) {
    %c0_i32 = arith.constant 0 : i32
    %c0_i32_0 = arith.constant 0 : i32
    return %arg0, %arg1, %c0_i32 : i32, i32, i32
  }
  func.func @transform_1(%arg0: i32, %arg1: i32) -> (i32, i32, i32) {
    %c0_i32 = arith.constant 0 : i32
    %c0_i32_0 = arith.constant 0 : i32
    %c0_i32_1 = arith.constant 0 : i32
    %c0_i32_2 = arith.constant 0 : i32
    return %c0_i32, %c0_i32_0, %c0_i32_1 : i32, i32, i32
  }
  func.func @transform_2(%arg0: i32, %arg1: i32) -> (i32, i32, i32, i32) {
    %c0_i32 = arith.constant 0 : i32
    %c0_i32_0 = arith.constant 0 : i32
    %c0_i32_1 = arith.constant 0 : i32
    %c0_i32_2 = arith.constant 0 : i32
    %c0_i32_3 = arith.constant 0 : i32
    return %c0_i32, %c0_i32_0, %c0_i32_1, %c0_i32_2 : i32, i32, i32, i32
  }
  func.func @transform_3(%arg0: i32, %arg1: i32) -> (i32, i32, i32) {
    %c0_i32 = arith.constant 0 : i32
    %c0_i32_0 = arith.constant 0 : i32
    %c0_i32_1 = arith.constant 0 : i32
    %c0_i32_2 = arith.constant 0 : i32
    return %c0_i32, %c0_i32_0, %c0_i32_1 : i32, i32, i32
  }
}

</mosaic_0001>

<sc_bundles>
// kernel: kernel.4.cloned.1.call-start
scs
__scs_entry_jumppad:
0x0: {  	(pc) =	sbr.rel $0x88, $3  }
0x1: {  	(tag) =	ssettag $0x0;
	lr =	simm.s32 $0x1  }
0x2: {  	[smem:$0x3FA0] =	sst lr;
	_ =	strace $0xD0000000  }
0x3: {  	_ = 	snop  }
0x4: {  	_ = 	snop  }
0x5: {  	_ = 	snop  }
0x6: {  	_ = 	snop  }
0x7: {  	_ = 	snop  }
__scs_overlays_trampoline_lowered:
0x8: {  	[smem:$0x3FAF] =	sst s0  }
0x9: {  	[smem:$0x3FB0] =	sst s1  }
0xa: {  	[smem:$0x3FB1] =	sst s2  }
0xb: {  	[smem:$0x3FB2] =	sst s3  }
0xc: {  	[smem:$0x3FB3] =	sst s4  }
0xd: {  	[smem:$0x3FB4] =	sst s5  }
0xe: {  	[smem:$0x3FB5] =	sst s6  }
0xf: {  	[smem:$0x3FB6] =	sst s7  }
0x10: {  	[smem:$0x3FB7] =	sst s8  }
0x11: {  	[smem:$0x3FB8] =	sst s9;
	s0 =	simm.s32 @!p0 $0x0  }
0x12: {  	s1 =	sld [smem:$0x3F9E];
	s0 =	simm.s32 @p0 $0x1  }
0x13: {  	[smem:$0x3FB9] =	sst s0;
	s0 =	simm.s32 @!p1 $0x0  }
0x14: {  	s2 =	sld [smem:$0x3F9D];
	s0 =	simm.s32 @p1 $0x1  }
0x15: {  	[smem:$0x3FBA] =	sst s0;
	s0 =	simm.s32 @!p2 $0x0  }
0x16: {  	s3 =	sld [smem:$0x3FDB];
	s0 =	simm.s32 @p2 $0x1  }
0x17: {  	s4 =	simm.s32 $0x1BF5;
	[smem:$0x3FBC] =	sst s0  }
0x18: {  	s0 =	sld [smem:$0x3F9F];
	_ =	swait.ge [sflag:s4], $0x0  }
0x19: {  	s7 =	sld [smem:$0x3FA0]  }
0x1a: {  	s8 =	sadd.s32 $0xFFFFE003, lr  }
0x1b: {  	s9 =	sadd.s32 $0xFFFFFEF7, lr;
	s5 =	simm.s32 $0xFFFFFFFF;
	p2 =	slt.u32 s8, $0xFFFFF086  }
0x1c: {  	p1 =	slt.u32 s9, $0xF7A;
	s5 =	simm.s32 @!p2 $0x0  }
0x1d: {  	s5 =	simm.s32 @p1 $0x1;
	p0 =	seq.s32 s7, s2  }
0x1e: {  	s7 =	smul.u32 @!p0 $0xF7A, s2;
	p2 =	seq.s32 @!p0 s5, $0x0  }
0x1f: {  	s9 =	smul.u32 $0xF7A, s1;
	s8 =	simm.s32 @!p0 $0x1BF5;
	p2 =	por !p2, p0  }
0x20: {  	[sflag:s8] =	ssyncset.s32 @!p0 $0xFFFFF086;
	s6 =	sadd.s32 @!p0 s3, s7;
	s7 =	simm.s32 @!p0 $0x108  }
0x21: {  	s3 =	sadd.s32 s3, s9;
	s6 =	sadd.s32 @!p0 $0x88, s6;
	s7 =	simm.s32 @p2 $0x1082  }
0x22: {  	[simem:s7], [sflag:s8] =	dma.local @!p0 [hbm:s6], $0xF7A  }
0x23: {  	s9 =	sor.u32 $0xD0000000, s2;
	s6 =	simm.s32 $0x108;
	_ =	swait.ge @!p0 [sflag:s8], $0x0  }
0x24: {  	s3 =	sadd.s32 $0x88, s3;
	s6 =	simm.s32 @!p1 $0x1082;
	[sflag:s4] =	ssyncset.s32 $0xFFFFF086  }
0x25: {  	[simem:s6], [sflag:s4] =	dma.local [hbm:s3], $0xF7A  }
0x26: {  	[smem:$0x3FA0] =	sst s1;
	(tag) =	ssettag s2;
	_ =	strace s9  }
0x27: {  	s1 =	sld [smem:$0x3FB0]  }
0x28: {  	s2 =	sld [smem:$0x3FB1]  }
0x29: {  	s4 =	sld [smem:$0x3FB3]  }
0x2a: {  	p0 =	seq.s32 s5, $0x0;
	s5 =	sld [smem:$0x3FB4]  }
0x2b: {  	s6 =	sld [smem:$0x3FB5]  }
0x2c: {  	s7 =	sld [smem:$0x3FB6]  }
0x2d: {  	s3 =	simm.s32 $0x108;
	s8 =	sld [smem:$0x3FB7]  }
0x2e: {  	s3 =	simm.s32 @!p0 $0x1082;
	s9 =	sld [smem:$0x3FB8]  }
0x2f: {  	lr =	sadd.s32 s0, s3;
	s0 =	sld [smem:$0x3FAF]  }
0x30: {  	s3 =	sld [smem:$0x3FB2]  }
0x31: {  	[smem:$0x3FBB] =	sst s10  }
0x32: {  	s10 =	sld [smem:$0x3FB9];
	_ =	sdelay $0x3  }
0x33: {  	p0 =	seq.s32 s10, $0x1;
	s10 =	sld [smem:$0x3FBB];
	_ =	sdelay $0x3  }
0x34: {  	[smem:$0x3FBB] =	sst s10  }
0x35: {  	s10 =	sld [smem:$0x3FBA];
	_ =	sdelay $0x3  }
0x36: {  	p1 =	seq.s32 s10, $0x1;
	s10 =	sld [smem:$0x3FBB];
	_ =	sdelay $0x3  }
0x37: {  	[smem:$0x3FBB] =	sst s10  }
0x38: {  	s10 =	sld [smem:$0x3FBC]  }
0x39: {  	_ = 	snop;
	(pc) =	sbr.ind lr, $3  }
0x3a: {  	_ = 	snop  }
0x3b: {  	_ = 	snop  }
0x3c: {  	p2 =	seq.s32 s10, $0x1;
	s10 =	sld [smem:$0x3FBB]  }
0x3d: {  	_ =	shalt  }
0x3e: {  	_ =	shalt  }
0x3f: {  	_ =	shalt  }
0x40: {  	_ =	shalt  }
0x41: {  	_ =	shalt  }
0x42: {  	_ =	shalt  }
0x43: {  	_ =	shalt  }
0x44: {  	_ =	shalt  }
0x45: {  	_ =	shalt  }
0x46: {  	_ =	shalt  }
0x47: {  	_ =	shalt  }
0x48: {  	_ =	shalt  }
0x49: {  	_ =	shalt  }
0x4a: {  	_ =	shalt  }
0x4b: {  	_ =	shalt  }
0x4c: {  	_ =	shalt  }
0x4d: {  	_ =	shalt  }
0x4e: {  	_ =	shalt  }
0x4f: {  	_ =	shalt  }
0x50: {  	_ =	shalt  }
0x51: {  	_ =	shalt  }
0x52: {  	_ =	shalt  }
0x53: {  	_ =	shalt  }
0x54: {  	_ =	shalt  }
0x55: {  	_ =	shalt  }
0x56: {  	_ =	shalt  }
0x57: {  	_ =	shalt  }
0x58: {  	_ =	shalt  }
0x59: {  	_ =	shalt  }
0x5a: {  	_ =	shalt  }
0x5b: {  	_ =	shalt  }
0x5c: {  	_ =	shalt  }
0x5d: {  	_ =	shalt  }
0x5e: {  	_ =	shalt  }
0x5f: {  	_ =	shalt  }
0x60: {  	_ =	shalt  }
0x61: {  	_ =	shalt  }
0x62: {  	_ =	shalt  }
0x63: {  	_ =	shalt  }
0x64: {  	_ =	shalt  }
0x65: {  	_ =	shalt  }
0x66: {  	_ =	shalt  }
0x67: {  	_ =	shalt  }
0x68: {  	_ =	shalt  }
0x69: {  	_ =	shalt  }
0x6a: {  	_ =	shalt  }
0x6b: {  	_ =	shalt  }
0x6c: {  	_ =	shalt  }
0x6d: {  	_ =	shalt  }
0x6e: {  	_ =	shalt  }
0x6f: {  	_ =	shalt  }
0x70: {  	_ =	shalt  }
0x71: {  	_ =	shalt  }
0x72: {  	_ =	shalt  }
0x73: {  	_ =	shalt  }
0x74: {  	_ =	shalt  }
0x75: {  	_ =	shalt  }
0x76: {  	_ =	shalt  }
0x77: {  	_ =	shalt  }
0x78: {  	_ =	shalt  }
0x79: {  	_ =	shalt  }
0x7a: {  	_ =	shalt  }
0x7b: {  	_ =	shalt  }
0x7c: {  	_ =	shalt  }
0x7d: {  	_ =	shalt  }
0x7e: {  	_ =	shalt  }
0x7f: {  	_ =	shalt  }
0x80: {  	_ =	shalt  }
0x81: {  	_ =	shalt  }
0x82: {  	_ =	shalt  }
0x83: {  	_ =	shalt  }
0x84: {  	_ =	shalt  }
0x85: {  	_ =	shalt  }
0x86: {  	_ =	shalt  }
0x87: {  	_ =	shalt  }
.Lfunc_end0:
.L_simem_size_0:
called_computation_lowered:
.L_overlay_start_0:
0x88: {  	s2 =	sld [smem:$0x3FD9]  }
0x89: {  	s3 =	sld [smem:$0x3FFE];
	_ =	sdelay $0x1  }
0x8a: {  	s1 =	srdreg.scid  }
0x8b: {  	s0 =	sand.u32 $0x1, s1  }
0x8c: {  	s14 =	sshll.u32 s0, $0xA;
	s2 =	sadd.s32 s3, s2  }
0x8d: {  	s2 =	sadd.s32 s2, s14  }
0x8e: {  	[smem:$0x3FC7] =	sst s2  }
0x8f: {  	_ = 	snop  }
0x90: {  	s2 =	sld [smem:$0x3FD0];
	_ =	sdelay $0x2  }
0x91: {  	s4 =	simm.s32 $0xA;
	s5 =	simm.s32 $0x10;
	s15 =	sld [smem:$0x3FC9]  }
0x92: {  	[smem:s5], [sflag:s4] =	dma.local [hbm:s2], $0x1  }
0x93: {  	_ =	swait.eq [sflag:s4], $0x1  }
0x94: {  	[sflag:s4] =	ssyncset.done $0x0  }
0x95: {  	[sflag:s4] =	ssyncadd.s32 $0xFFFFFFFF  }
0x96: {  	s16 =	sld [smem:$0x10];
	(tm) =	ssettm $0x1  }
0x97: {  	s17 =	sld [smem:$0x3FFB];
	_ =	sdelay $0x3  }
0x98: {  	_ =	strace s17  }
0x99: {  	s4 =	sld [smem:$0x3FFC];
	_ =	sdelay $0x3  }
0x9a: {  	_ =	strace s4  }
0x9b: {  	s4 =	sld [smem:$0x3FFD];
	_ =	sdelay $0x3  }
0x9c: {  	_ =	strace s4  }
0x9d: {  	_ =	strace $0x8FFFFFFF  }
0x9e: {  	s18 =	sld [smem:$0x3FDB];
	_ =	sdelay $0x1  }
0x9f: {  	s19 =	simm.s32 $_scs_section_size  }
0xa0: {  	s6 =	simm.s32 $_size__tile_overlayer_lowered;
	s7 =	simm.s32 $_tile_overlayer_lowered  }
0xa1: {  	s22 =	simm.s32 $0x1BFF;
	s21 =	sshll.u32 s7, $0x1;
	s4 =	sadd.s32 s19, s18  }
0xa2: {  	s8 =	simm.s32 $0x0;
	s20 =	sshll.u32 s6, $0x1;
	s6 =	sadd.s32 s21, s4  }
0xa3: {  	[timem:s8], [sflag:s22] =	dma.local [hbm:s6], s20  }
0xa4: {  	_ =	swait.ge [sflag:s22], s20  }
0xa5: {  	s5 =	ssub.s32 $0x0, s20;
	[sflag:s22] =	ssyncset.done $0x0  }
0xa6: {  	[sflag:s22] =	ssyncadd.s32 s5;
	_ =	sdelay $0x1  }
0xa7: {  	s23 =	simm.s32 $0x1B8B  }
0xa8: {  	_ =	swait.ge [sflag:s23], $0x1  }
0xa9: {  	[sflag:s23] =	ssyncset.done $0x0  }
0xaa: {  	s25 =	simm.s32 $0x1B8E;
	s24 =	sld [smem:$0x3FFE];
	[sflag:s23] =	ssyncadd.s32 $0xFFFFFFFF  }
0xab: {  	s26 =	simm.s32 $execute0_lowered;
	[smem:$0x3FD2] =	sst s25  }
0xac: {  	s6 =	sshll.u32 s26, $0x1;
	_ =	strace $0x80000046;
	[dreg:$0x1] =	wrdreg $0xFFFFFFFF  }
0xad: {  	s28 =	simm.s32 $_size_execute0_lowered;
	s4 =	sadd.s32 s4, s6;
	[dreg:$0x0] =	wrdreg $0x0  }
0xae: {  	s6 =	sshll.u32 s28, $0x1;
	[dreg:$0x2] =	wrdreg s4  }
0xaf: {  	[dreg:$0x3] =	wrdreg s6  }
0xb0: {  	[dreg:$0x4] =	wrdreg $0xC0  }
0xb1: {  	_ =	task [dreg:s8], $0x5FFFF  }
0xb2: {  	[dreg:$0x1] =	wrdreg $0xFFFFFFFF  }
0xb3: {  	[dreg:$0x0] =	wrdreg $0x60  }
0xb4: {  	[dreg:$0x2] =	wrdreg s15  }
0xb5: {  	[dreg:$0x3] =	wrdreg s24  }
0xb6: {  	[dreg:$0x4] =	wrdreg s16  }
0xb7: {  	[dreg:$0x5] =	wrdreg $0x194800  }
0xb8: {  	[dreg:$0x6] =	wrdreg $0x9  }
0xb9: {  	_ =	task.clear_ibuf [dreg:s8], $0x7FFFF;
	_ =	strace $0x90000046  }
0xba: {  	s29 =	simm.s32 $0x9;
	_ =	strace $0x80000048  }
0xbb: {  	_ =	swait.ge [sflag:s29], $0x1  }
0xbc: {  	[sflag:s29] =	ssyncadd.s32 $0xFFFFFFFF  }
0xbd: {  	_ =	strace $0x90000048  }
0xbe: {  	_ =	sfence  }
0xbf: {  	s30 =	sld [smem:$0x0];
	_ =	sdelay $0x2  }
0xc0: {  	s31 =	sshll.u32 s1, $0xD;
	s1 =	sshrl.u32 s1, $0x2  }
0xc1: {  	s3 =	sand.u32 $0x4000, s31;
	s1 =	sadd.s32 s1, s30  }
0xc2: {  	s0 =	sor.u32 s3, s0;
	s1 =	sshll.u32 s1, $0x11  }
0xc3: {  	s0 =	sor.u32 s1, s0  }
0xc4: {  	s0 =	sadd.s32 $0x8F2B, s0  }
0xc5: {  	[sflag:s0] =	ssyncadd.remote.s32 $0x1  }
0xc6: {  	_ =	sfence.sel $0xFFFF  }
0xc7: {  	[dreg:$0x0] =	wrdreg $0xFFFFFFFF;
	(pc) =	sbr.abs _section_cstart, $3  }
0xc8: {  	[dreg:$0x1] =	wrdreg $0xFFFFFFFF  }
0xc9: {  	_ =	task.clear_ibuf [dreg:s8], $0x2FFFF;
	_ =	strace $0x9FFFFFFF  }
0xca: {  	(tm) =	ssettm $0x7FFFFFFF  }
0xcb: {  	_ =	shalt  }
tec
execute0_lowered:
.L_overlay_start_1:
0x0: {  	(tag) =	ssettag $0x1  }
0x1: {  	s1 =	rddreg [dreg:$0x0]  }
0x2: {  	s0 =	rddreg [dreg:$0x1]  }
0x3: {  	s2 =	srdreg.scid;
	s5 =	rddreg [dreg:$0x2]  }
0x4: {  	s15 =	stileid.u32;
	s3 =	rddreg [dreg:$0x3]  }
0x5: {  	s2 =	sand.u32 $0x1, s2;
	s7 =	sshrl.u32 s15, $0x3;
	s8 =	sand.u32 $0x7, s15  }
0x6: {  	s11 =	sshll.u32 s15, $0x9;
	s4 =	sshll.u32 s2, $0x1;
	s10 =	sshll.u32 s8, $0x7  }
0x7: {  	s12 =	sshll.u32 s8, $0x6;
	s13 =	ssub.s32 $0x2, s2;
	s29 =	sshll.u32 s8, $0xA  }
0x8: {  	s31 =	sadd.s32 s11, s3;
	s9 =	sor.u32 s7, s4;
	s4 =	simm.s32 $0x0  }
0x9: {  	s25 =	sshrl.u32 s13, $0x1;
	s7 =	sshll.u32 s7, $0xD;
	s6 =	sshll.u32 s9, $0xD  }
0xa: {  	[smem:$0x7FF] =	sst s4;
	s9 =	sshll.u32 s9, $0x9;
	s6 =	sor.u32 s10, s6  }
0xb: {  	_ =	strace $0x80000047;
	[dreg:$0x7] =	wrdreg s31;
	s6 =	sshrl.u32 s6, $0x3  }
0xc: {  	s24 =	sadd.s32 s6, s0;
	s6 =	sshll.u32 s2, $0xD;
	s0 =	sadd.s32 s12, s0  }
0xd: {  	s2 =	sshll.u32 s2, $0xE;
	s14 =	sor.u32 s11, s6;
	s10 =	sadd.s32 $0xA00, s24  }
0xe: {  	s0 =	sadd.s32 s9, s0;
	s2 =	sor.u32 s7, s2;
	s14 =	sshrl.u32 s14, $0x3  }
0xf: {  	[dreg:$0x5] =	wrdreg s10;
	s0 =	sadd.s32 $0x1A00, s0;
	s26 =	smul.u32 $0x300, s14  }
0x10: {  	s12 =	ssub.s32 s13, s25;
	[dreg:$0x6] =	wrdreg s0;
	s0 =	sor.u32 s29, s2  }
0x11: {  	[dreg:$0x13] =	wrdreg s0;
	s3 =	sadd.s32 s5, s26;
	s26 =	smax.u32 s12, $0x1  }
0x12: {  	[dreg:$0x16] =	wrdreg s26  }
0x13: {  	s28 =	smul.u32 $0x1800, s14;
	s13 =	sadd.s32 $0xC00, s3;
	[dreg:$0x8] =	wrdreg s3  }
0x14: {  	s14 =	sadd.s32 $0x1800, s3;
	[dreg:$0x9] =	wrdreg s13  }
0x15: {  	s9 =	sshrl.u32 s28, $0x3;
	s28 =	sadd.s32 $0x2400, s3;
	[dreg:$0xa] =	wrdreg s14  }
0x16: {  	s29 =	sadd.s32 $0x3000, s3;
	[dreg:$0x17] =	wrdreg s28  }
0x17: {  	s5 =	sadd.s32 s5, s9;
	s31 =	sadd.s32 $0x3C00, s3;
	[dreg:$0x18] =	wrdreg s29  }
0x18: {  	s16 =	sadd.s32 $0x4800, s5;
	[dreg:$0x19] =	wrdreg s31  }
0x19: {  	s17 =	sadd.s32 $0x5400, s5;
	[dreg:$0xb] =	wrdreg s16  }
0x1a: {  	s30 =	simm.s32 $0x6;
	s18 =	sadd.s32 $0x6000, s5;
	[dreg:$0xc] =	wrdreg s17  }
0x1b: {  	s8 =	sadd.s32 $0x100, s1;
	s19 =	sadd.s32 $0x6C00, s5;
	[dreg:$0xd] =	wrdreg s18  }
0x1c: {  	s7 =	simm.s32 $0x80;
	s20 =	sadd.s32 $0x7800, s5;
	[dreg:$0xe] =	wrdreg s19  }
0x1d: {  	s10 =	sadd.s32 $0x200, s1;
	s21 =	sadd.s32 $0x8400, s5;
	[dreg:$0xf] =	wrdreg s20  }
0x1e: {  	v2 =	vlaneseq.u32;
	s2 =	simm.s32 $0x600;
	s22 =	sadd.s32 $0x9000, s5;
	[dreg:$0x10] =	wrdreg s21  }
0x1f: {  	v3 =	vimm.s32 $0x0;
	vm0 =	vmmov $0xffff;
	v1 =	vmov s15;
	s0 =	simm.s32 $0x1;
	s23 =	sadd.s32 $0x9C00, s5;
	[dreg:$0x11] =	wrdreg s22  }
0x20: {  	v4 =	vand.u32 $0x7, v2;
	v5 =	vshrl.u32 v2, $0x3;
	v0 =	vmov s6;
	s3 =	simm.s32 $0x0;
	s24 =	sadd.s32 $0xA800, s5;
	[dreg:$0x12] =	wrdreg s23  }
0x21: {  	v6 =	vor.u32 $0x8, v2;
	v1 =	vor.u32 $0x2000, v1;
	v0 =	vsub.s32 $0x0, v0;
	s25 =	sadd.s32 $0xB400, s5;
	s5 =	simm.s32 $0xA;
	[dreg:$0x14] =	wrdreg s24  }
0x22: {  	v5 =	vmul.u32 $0x8, v5;
	v1 =	vbroadcast v1, $0x0;
	v0 =	vbroadcast v0, $0x0;
	[dreg:$0x15] =	wrdreg s25;
	s16 =	simm.s32 $0x13480;
	s17 =	simm.s32 $0x2  }
.LBB2_1:
0x23: {  	s6 =	rddreg [dreg:$0x5];
	s9 =	simm.s32 $0x400  }
0x24: {  	[tilespmem:s4], [sflag:$0xA] =	stream.strided.gather [hbm4b:s6+s7], $0x400, s9, s7, $0x38;
	[tilespmem:$0x19688] =	vst v63  }
0x25: {  	_ =	swait.ge [sflag:s5], $0x400  }
0x26: {  	[sflag:s5] =	ssyncset.done $0x0  }
0x27: {  	s29 =	rddreg [dreg:$0x6];
	[sflag:s5] =	ssyncadd.s32 $0xFFFFFC00  }
0x28: {  	[tilespmem:s9], [sflag:$0xA] =	stream.linear.gather [hbm4b:s29+s4], $0x200, $0x38;
	[tilespmem:$0x19688] =	vst v63  }
0x29: {  	_ =	swait.ge [sflag:s5], $0x200  }
0x2a: {  	[sflag:s5] =	ssyncset.done $0x0  }
0x2b: {  	[sflag:s5] =	ssyncadd.s32 $0xFFFFFE00  }
0x2c: {  	s31 =	simm.s32 $0x0;
	v8 =	vld [tilespmem:$0x400]  }
0x2d: {  	v10 =	vld [tilespmem:s31+$0x0];
	_ =	sdelay $0x4  }
0x2e: {  	vm1 =	veq.s32 v10, v8  }
0x2f: {  	v11 =	vsel vm1, $0x1, v3  }
0x30: {  	(xrf0) =	vadd.scan.msk.s32 $0xffff, v11;
	_ =	sdelay $0x2  }
0x31: {  	v9 =	vld [tilespmem:$0x480];
	_ =	sdelay $0x1  }
0x32: {  	v11 =	vsel vm1, $0xFFFFFFFF, v3  }
0x33: {  	v11 =	vadd.s32 v11, v3;
	v12, _, _ =	vpop (xrf0)  }
0x34: {  	v11 =	vadd.s32 v12, v11  }
0x35: {  	vm2 =	vlt.s32 v11, v9  }
0x36: {  	vm3 =	vgt.s32 v10, v8;
	vm2 =	vmand vm1, vm2  }
0x37: {  	vm2 =	vmor vm3, vm2  }
0x38: {  	v10 =	vsel vm2, $0x1, v3  }
0x39: {  	(xrf0) =	vadd.scan.msk.s32 $0xffff, v10;
	_ =	sdelay $0x4  }
0x3a: {  	v10 =	vsel vm2, $0xFFFFFFFF, v3  }
0x3b: {  	v10 =	vadd.s32 v10, v3;
	v11, _, _ =	vpop (xrf0)  }
0x3c: {  	v13 =	vmpcnt.ones.xlane vm2;
	v11 =	vadd.s32 v11, v10;
	v10 =	vmpcnt.ones.xlane vm1  }
0x3d: {  	s28 =	rddreg [dreg:$0x13]  }
0x3e: {  	v12 =	vadd.s32 v3, v10;
	v10 =	vadd.s32 v3, v13;
	v13 =	vor.u32 s28, v2;
	_ =	sdelay $0x2  }
0x3f: {  	s21 =	simm.s32 $0x10;
	s9 =	simm.s32 $0x80;
	v7 =	vld [tilespmem:$0x500];
	[tilespmem:v11+s2+$0x0] =	vst.idx.msk vm2, v13;
	v13 =	vmov v12;
	v11 =	vmov v10  }
.LBB2_2:
0x40: {  	p0 =	seq.s32 s9, $0xFC0;
	v14 =	vld [tilespmem:s21+$0x0];
	_ =	sdelay $0x4  }
0x41: {  	vm1 =	veq.s32 v14, v8  }
0x42: {  	v15 =	vsel vm1, $0x1, v3;
	v16 =	vmpcnt.ones.xlane vm1  }
0x43: {  	(xrf0) =	vadd.scan.msk.s32 $0xffff, v15  }
0x44: {  	v12 =	vadd.s32 v12, v16;
	_ =	sdelay $0x3  }
0x45: {  	v15 =	vsel vm1, $0xFFFFFFFF, v3  }
0x46: {  	v15 =	vadd.s32 v15, v13;
	v13 =	vmov v12;
	v16, _, _ =	vpop (xrf0)  }
0x47: {  	v15 =	vadd.s32 v16, v15  }
0x48: {  	vm2 =	vlt.s32 v15, v9  }
0x49: {  	vm3 =	vgt.s32 v14, v8;
	vm1 =	vmand vm1, vm2  }
0x4a: {  	vm1 =	vmor vm3, vm1  }
0x4b: {  	v14 =	vsel vm1, $0x1, v3;
	v15 =	vmpcnt.ones.xlane vm1  }
0x4c: {  	(xrf0) =	vadd.scan.msk.s32 $0xffff, v14  }
0x4d: {  	v10 =	vadd.s32 v10, v15;
	_ =	sdelay $0x3  }
0x4e: {  	v14 =	vsel vm1, $0xFFFFFFFF, v3  }
0x4f: {  	v14 =	vadd.s32 v14, v11;
	v11 =	vmov v10;
	v15, _, _ =	vpop (xrf0)  }
0x50: {  	v14 =	vadd.s32 v15, v14  }
.Ltmp0:
0x51: {  	(pc) =	sbr.rel @!p0 .LBB2_2-.Ltmp0, $4  }
0x52: {  	_ = 	snop  }
0x53: {  	s28 =	sadd.s32 $0x10, s28  }
0x54: {  	v15 =	vor.u32 s28, v2  }
0x55: {  	s21 =	sshra.s32 s9, $0x2;
	s9 =	sadd.s32 $0x40, s9;
	[tilespmem:v14+s2+$0x0] =	vst.idx.msk vm1, v15  }
0x56: {  	v12 =	vld [tilespmem:s21+$0x0];
	_ =	sdelay $0x4  }
0x57: {  	vm1 =	veq.s32 v12, v8  }
0x58: {  	v14 =	vsel vm1, $0x1, v3  }
0x59: {  	(xrf0) =	vadd.scan.msk.s32 $0xffff, v14;
	_ =	sdelay $0x4  }
0x5a: {  	v62 =	vsel vm1, $0xFFFFFFFF, v3  }
0x5b: {  	v13 =	vadd.s32 v62, v13;
	v63, _, _ =	vpop (xrf0)  }
0x5c: {  	v13 =	vadd.s32 v63, v13  }
0x5d: {  	vm2 =	vlt.s32 v13, v9  }
0x5e: {  	vm3 =	vgt.s32 v12, v8;
	vm1 =	vmand vm1, vm2  }
0x5f: {  	vm1 =	vmor vm3, vm1  }
0x60: {  	v8 =	vsel vm1, $0x1, v3  }
0x61: {  	(xrf0) =	vadd.scan.msk.s32 $0xffff, v8;
	_ =	sdelay $0x4  }
0x62: {  	v8 =	vsel vm1, $0xFFFFFFFF, v3  }
0x63: {  	v8 =	vadd.s32 v8, v11;
	v9, _, _ =	vpop (xrf0)  }
0x64: {  	v9 =	vadd.s32 v9, v8;
	_ =	sdelay $0x2  }
0x65: {  	s9 =	sadd.s32 $0x10, s28;
	v8 =	vmpcnt.ones.xlane vm1  }
0x66: {  	v11 =	vor.u32 s9, v2;
	s9 =	simm.s32 $0x0  }
0x67: {  	v7 =	vadd.s32 v0, v7;
	s31 =	sand.u32 $0x1E00, s9;
	v8 =	vadd.s32 v10, v8;
	[tilespmem:v9+s2+$0x0] =	vst.idx.msk vm1, v11;
	v9 =	vor.u32 s9, v2  }
0x68: {  	s6 =	sand.u32 $0x70, s9;
	s21 =	sshrl.u32 s31, $0x2;
	vm1 =	vlt.s32 v9, v8;
	v9 =	vadd.s32 v9, v7  }
0x69: {  	[dreg:$0x1a] =	wrdreg s3;
	s28 =	simm.s32 $0x40;
	s21 =	sor.u32 s6, s21;
	v9 =	vsel vm1, v9, v1  }
.LBB2_4:
0x6a: {  	p0 =	sne.s32 s28, $0x11C0  }
0x6b: {  	[tilespmem:s21+$0xA80] =	vst v9;
	s9 =	sadd.s32 $0x10, s9;
	s6 =	smov.u32 s28;
	s28 =	sadd.s32 $0x40, s28  }
.Ltmp1:
0x6c: {  	(pc) =	sbr.rel @p0 .LBB2_4-.Ltmp1, $4  }
0x6d: {  	_ = 	snop  }
0x6e: {  	v9 =	vor.u32 s9, v2;
	s6 =	sand.u32 $0x1E00, s6  }
0x6f: {  	s21 =	sand.u32 $0x70, s9;
	vm1 =	vlt.s32 v9, v8;
	v9 =	vadd.s32 v9, v7;
	s6 =	sshrl.u32 s6, $0x2  }
0x70: {  	v9 =	vsel vm1, v9, v1;
	s21 =	sor.u32 s21, s6  }
0x71: {  	[tilespmem:s21+$0xA80] =	vst v9;
	s6 =	simm.s32 $0xA80;
	s3 =	rddreg [dreg:$0x3]  }
0x72: {  	[spmem:s3] =	stream.indirect.scatter [tilespmem:s2], [sflag:$0x1], $0x1, s6, s7, $0xb8;
	[tilespmem:$0x19688] =	vst v63  }
0x73: {  	s31 =	simm.s32 $0xB00;
	s9 =	simm.s32 $0x680  }
0x74: {  	[spmem:s3] =	stream.indirect.scatter [tilespmem:s9], [sflag:$0x1], $0x1, s31, s7, $0xb8;
	[tilespmem:$0x19688] =	vst v63  }
0x75: {  	s11 =	simm.s32 $0xB80;
	s12 =	simm.s32 $0x700  }
0x76: {  	[spmem:s3] =	stream.indirect.scatter [tilespmem:s12], [sflag:$0x1], $0x1, s11, s7, $0xb8;
	[tilespmem:$0x19688] =	vst v63  }
0x77: {  	s13 =	simm.s32 $0xC00;
	s14 =	simm.s32 $0x780  }
0x78: {  	[spmem:s3] =	stream.indirect.scatter [tilespmem:s14], [sflag:$0x1], $0x1, s13, s7, $0xb8;
	[tilespmem:$0x19688] =	vst v63  }
0x79: {  	s15 =	simm.s32 $0xC80;
	s18 =	simm.s32 $0x800  }
0x7a: {  	[spmem:s3] =	stream.indirect.scatter [tilespmem:s18], [sflag:$0x1], $0x1, s15, s7, $0xb8;
	[tilespmem:$0x19688] =	vst v63  }
0x7b: {  	s19 =	simm.s32 $0xD00;
	s20 =	simm.s32 $0x880  }
0x7c: {  	[spmem:s3] =	stream.indirect.scatter [tilespmem:s20], [sflag:$0x1], $0x1, s19, s7, $0xb8;
	[tilespmem:$0x19688] =	vst v63  }
0x7d: {  	s21 =	simm.s32 $0xD80;
	s22 =	simm.s32 $0x900  }
0x7e: {  	[spmem:s3] =	stream.indirect.scatter [tilespmem:s22], [sflag:$0x1], $0x1, s21, s7, $0xb8;
	[tilespmem:$0x19688] =	vst v63  }
0x7f: {  	s23 =	simm.s32 $0xE00;
	s24 =	simm.s32 $0x980  }
0x80: {  	[spmem:s3] =	stream.indirect.scatter [tilespmem:s24], [sflag:$0x1], $0x1, s23, s7, $0xb8;
	[tilespmem:$0x19688] =	vst v63  }
0x81: {  	s25 =	simm.s32 $0xE80;
	s26 =	simm.s32 $0xA00  }
0x82: {  	[spmem:s3] =	stream.indirect.scatter [tilespmem:s26], [sflag:$0x1], $0x1, s25, s7, $0xb8;
	[tilespmem:$0x19688] =	vst v63  }
0x83: {  	_ =	swait.ge [sflag:s0], $0x80  }
0x84: {  	[sflag:s0] =	ssyncset.done $0x0  }
0x85: {  	[sflag:s0] =	ssyncadd.s32 $0xFFFFFF80  }
0x86: {  	_ =	swait.ge [sflag:s0], $0x80  }
0x87: {  	[sflag:s0] =	ssyncset.done $0x0  }
0x88: {  	[sflag:s0] =	ssyncadd.s32 $0xFFFFFF80  }
0x89: {  	_ =	swait.ge [sflag:s0], $0x80  }
0x8a: {  	[sflag:s0] =	ssyncset.done $0x0  }
0x8b: {  	[sflag:s0] =	ssyncadd.s32 $0xFFFFFF80  }
0x8c: {  	_ =	swait.ge [sflag:s0], $0x80  }
0x8d: {  	[sflag:s0] =	ssyncset.done $0x0  }
0x8e: {  	[sflag:s0] =	ssyncadd.s32 $0xFFFFFF80  }
0x8f: {  	_ =	swait.ge [sflag:s0], $0x80  }
0x90: {  	[sflag:s0] =	ssyncset.done $0x0  }
0x91: {  	[sflag:s0] =	ssyncadd.s32 $0xFFFFFF80  }
0x92: {  	_ =	swait.ge [sflag:s0], $0x80  }
0x93: {  	[sflag:s0] =	ssyncset.done $0x0  }
0x94: {  	[sflag:s0] =	ssyncadd.s32 $0xFFFFFF80  }
0x95: {  	_ =	swait.ge [sflag:s0], $0x80  }
0x96: {  	[sflag:s0] =	ssyncset.done $0x0  }
0x97: {  	[sflag:s0] =	ssyncadd.s32 $0xFFFFFF80  }
0x98: {  	_ =	swait.ge [sflag:s0], $0x80  }
0x99: {  	[sflag:s0] =	ssyncset.done $0x0  }
0x9a: {  	[sflag:s0] =	ssyncadd.s32 $0xFFFFFF80  }
0x9b: {  	_ =	swait.ge [sflag:s0], $0x80  }
0x9c: {  	[sflag:s0] =	ssyncset.done $0x0  }
0x9d: {  	[sflag:s0] =	ssyncadd.s32 $0xFFFFFF80  }
0x9e: {  	[bflag:$0x0] =	sbarrier.arrive $0xFFFF  }
0x9f: {  	s29 =	simm.s32 $0x1280;
	s28 =	rddreg [dreg:$0x7]  }
0xa0: {  	[tilespmem:s29], [sflag:$0xA] =	stream.linear.gather [spmem:s28], $0x200, $0x38;
	[tilespmem:$0x19688] =	vst v63  }
0xa1: {  	_ =	swait.ge [sflag:s5], $0x200  }
0xa2: {  	[sflag:s5] =	ssyncset.done $0x0  }
0xa3: {  	[sflag:s5] =	ssyncadd.s32 $0xFFFFFE00  }
0xa4: {  	v7 =	vld [tilespmem:$0x1280];
	_ =	sdelay $0x4  }
0xa5: {  	v8 =	vshrl.u32 v7, $0x3  }
0xa6: {  	v8 =	vmul.u32 $0x30, v8  }
0xa7: {  	v7 =	vand.u32 $0x7, v7  }
0xa8: {  	v7 =	vor.u32 v7, v8  }
0xa9: {  	v8 =	vperm.xlane v7, v4;
	_ =	sdelay $0x1  }
0xaa: {  	v8 =	vadd.s32 v5, v8;
	_ =	sdelay $0x3  }
0xab: {  	s31 =	simm.s32 $0x1480;
	v7 =	vperm.xlane v7, v6  }
0xac: {  	[tilespmem:s31], [sflag:$0x2] =	stream.indirect_vreg.gather [hbm4b:s1+s4], $0x80, v8, vm0, $0xb8;
	[tilespmem:$0x19688] =	vst v63  }
0xad: {  	s5 =	simm.s32 $0x1C80;
	v7 =	vadd.s32 v5, v7  }
0xae: {  	[tilespmem:s5], [sflag:$0x2] =	stream.indirect_vreg.gather [hbm4b:s8+s4], $0x80, v8, vm0, $0xb8;
	[tilespmem:$0x19688] =	vst v63  }
0xaf: {  	s6 =	simm.s32 $0x2480  }
0xb0: {  	[tilespmem:s6], [sflag:$0x2] =	stream.indirect_vreg.gather [hbm4b:s10+s4], $0x80, v8, vm0, $0xb8;
	[tilespmem:$0x19688] =	vst v63  }
0xb1: {  	s7 =	simm.s32 $0x2C80  }
0xb2: {  	[tilespmem:s7], [sflag:$0x2] =	stream.indirect_vreg.gather [hbm4b:s1+s4], $0x80, v7, vm0, $0xb8;
	[tilespmem:$0x19688] =	vst v63  }
0xb3: {  	s9 =	simm.s32 $0x3480  }
0xb4: {  	[tilespmem:s9], [sflag:$0x2] =	stream.indirect_vreg.gather [hbm4b:s8+s4], $0x80, v7, vm0, $0xb8;
	[tilespmem:$0x19688] =	vst v63  }
0xb5: {  	s11 =	simm.s32 $0x3C80  }
0xb6: {  	[tilespmem:s11], [sflag:$0x2] =	stream.indirect_vreg.gather [hbm4b:s10+s4], $0x80, v7, vm0, $0xb8;
	[tilespmem:$0x19688] =	vst v63  }
0xb7: {  	v7 =	vld [tilespmem:$0x1290];
	_ =	sdelay $0x4  }
0xb8: {  	v8 =	vshrl.u32 v7, $0x3  }
0xb9: {  	v8 =	vmul.u32 $0x30, v8  }
0xba: {  	v7 =	vand.u32 $0x7, v7  }
0xbb: {  	v7 =	vor.u32 v7, v8  }
0xbc: {  	v8 =	vperm.xlane v7, v4;
	_ =	sdelay $0x1  }
0xbd: {  	v8 =	vadd.s32 v5, v8;
	_ =	sdelay $0x3  }
0xbe: {  	s12 =	simm.s32 $0x4480;
	v7 =	vperm.xlane v7, v6  }
0xbf: {  	[tilespmem:s12], [sflag:$0x2] =	stream.indirect_vreg.gather [hbm4b:s1+s4], $0x80, v8, vm0, $0xb8;
	[tilespmem:$0x19688] =	vst v63  }
0xc0: {  	s13 =	simm.s32 $0x4C80;
	v7 =	vadd.s32 v5, v7  }
0xc1: {  	[tilespmem:s13], [sflag:$0x2] =	stream.indirect_vreg.gather [hbm4b:s8+s4], $0x80, v8, vm0, $0xb8;
	[tilespmem:$0x19688] =	vst v63  }
0xc2: {  	s14 =	simm.s32 $0x5480  }
0xc3: {  	[tilespmem:s14], [sflag:$0x2] =	stream.indirect_vreg.gather [hbm4b:s10+s4], $0x80, v8, vm0, $0xb8;
	[tilespmem:$0x19688] =	vst v63  }
0xc4: {  	s15 =	simm.s32 $0x5C80  }
0xc5: {  	[tilespmem:s15], [sflag:$0x2] =	stream.indirect_vreg.gather [hbm4b:s1+s4], $0x80, v7, vm0, $0xb8;
	[tilespmem:$0x19688] =	vst v63  }
0xc6: {  	s19 =	simm.s32 $0x6480  }
0xc7: {  	[tilespmem:s19], [sflag:$0x2] =	stream.indirect_vreg.gather [hbm4b:s8+s4], $0x80, v7, vm0, $0xb8;
	[tilespmem:$0x19688] =	vst v63  }
0xc8: {  	s22 =	simm.s32 $0x6C80  }
0xc9: {  	[tilespmem:s22], [sflag:$0x2] =	stream.indirect_vreg.gather [hbm4b:s10+s4], $0x80, v7, vm0, $0xb8;
	[tilespmem:$0x19688] =	vst v63  }
0xca: {  	v7 =	vld [tilespmem:$0x12A0];
	_ =	sdelay $0x4  }
0xcb: {  	v8 =	vshrl.u32 v7, $0x3  }
0xcc: {  	v8 =	vmul.u32 $0x30, v8  }
0xcd: {  	v7 =	vand.u32 $0x7, v7  }
0xce: {  	v7 =	vor.u32 v7, v8  }
0xcf: {  	v8 =	vperm.xlane v7, v4;
	_ =	sdelay $0x1  }
0xd0: {  	v8 =	vadd.s32 v5, v8;
	_ =	sdelay $0x3  }
0xd1: {  	s23 =	simm.s32 $0x7480;
	v7 =	vperm.xlane v7, v6  }
0xd2: {  	[tilespmem:s23], [sflag:$0x3] =	stream.indirect_vreg.gather [hbm4b:s1+s4], $0x80, v8, vm0, $0xb8;
	[tilespmem:$0x19688] =	vst v63  }
0xd3: {  	s25 =	simm.s32 $0x7C80;
	v7 =	vadd.s32 v5, v7  }
0xd4: {  	[tilespmem:s25], [sflag:$0x3] =	stream.indirect_vreg.gather [hbm4b:s8+s4], $0x80, v8, vm0, $0xb8;
	[tilespmem:$0x19688] =	vst v63  }
0xd5: {  	s26 =	simm.s32 $0x8480  }
0xd6: {  	[tilespmem:s26], [sflag:$0x3] =	stream.indirect_vreg.gather [hbm4b:s10+s4], $0x80, v8, vm0, $0xb8;
	[tilespmem:$0x19688] =	vst v63  }
0xd7: {  	s28 =	simm.s32 $0x8C80  }
0xd8: {  	[tilespmem:s28], [sflag:$0x3] =	stream.indirect_vreg.gather [hbm4b:s1+s4], $0x80, v7, vm0, $0xb8;
	[tilespmem:$0x19688] =	vst v63  }
0xd9: {  	s29 =	simm.s32 $0x9480  }
0xda: {  	[tilespmem:s29], [sflag:$0x3] =	stream.indirect_vreg.gather [hbm4b:s8+s4], $0x80, v7, vm0, $0xb8;
	[tilespmem:$0x19688] =	vst v63  }
0xdb: {  	s31 =	simm.s32 $0x9C80  }
0xdc: {  	[tilespmem:s31], [sflag:$0x3] =	stream.indirect_vreg.gather [hbm4b:s10+s4], $0x80, v7, vm0, $0xb8;
	[tilespmem:$0x19688] =	vst v63  }
0xdd: {  	v7 =	vld [tilespmem:$0x12B0];
	_ =	sdelay $0x4  }
0xde: {  	v8 =	vshrl.u32 v7, $0x3  }
0xdf: {  	v8 =	vmul.u32 $0x30, v8  }
0xe0: {  	v7 =	vand.u32 $0x7, v7  }
0xe1: {  	v7 =	vor.u32 v7, v8  }
0xe2: {  	v8 =	vperm.xlane v7, v4;
	_ =	sdelay $0x1  }
0xe3: {  	v8 =	vadd.s32 v5, v8;
	_ =	sdelay $0x3  }
0xe4: {  	s5 =	simm.s32 $0xA480;
	v7 =	vperm.xlane v7, v6  }
0xe5: {  	[tilespmem:s5], [sflag:$0x3] =	stream.indirect_vreg.gather [hbm4b:s1+s4], $0x80, v8, vm0, $0xb8;
	[tilespmem:$0x19688] =	vst v63  }
0xe6: {  	s6 =	simm.s32 $0xAC80;
	v7 =	vadd.s32 v5, v7  }
0xe7: {  	[tilespmem:s6], [sflag:$0x3] =	stream.indirect_vreg.gather [hbm4b:s8+s4], $0x80, v8, vm0, $0xb8;
	[tilespmem:$0x19688] =	vst v63  }
0xe8: {  	s7 =	simm.s32 $0xB480  }
0xe9: {  	[tilespmem:s7], [sflag:$0x3] =	stream.indirect_vreg.gather [hbm4b:s10+s4], $0x80, v8, vm0, $0xb8;
	[tilespmem:$0x19688] =	vst v63  }
0xea: {  	s14 =	simm.s32 $0xBC80  }
0xeb: {  	[tilespmem:s14], [sflag:$0x3] =	stream.indirect_vreg.gather [hbm4b:s1+s4], $0x80, v7, vm0, $0xb8;
	[tilespmem:$0x19688] =	vst v63  }
0xec: {  	s15 =	simm.s32 $0xC480  }
0xed: {  	[tilespmem:s15], [sflag:$0x3] =	stream.indirect_vreg.gather [hbm4b:s8+s4], $0x80, v7, vm0, $0xb8;
	[tilespmem:$0x19688] =	vst v63  }
0xee: {  	s25 =	simm.s32 $0xCC80  }
0xef: {  	[tilespmem:s25], [sflag:$0x3] =	stream.indirect_vreg.gather [hbm4b:s10+s4], $0x80, v7, vm0, $0xb8;
	[tilespmem:$0x19688] =	vst v63  }
0xf0: {  	v7 =	vld [tilespmem:$0x12C0];
	_ =	sdelay $0x4  }
0xf1: {  	v8 =	vshrl.u32 v7, $0x3  }
0xf2: {  	v8 =	vmul.u32 $0x30, v8  }
0xf3: {  	v7 =	vand.u32 $0x7, v7  }
0xf4: {  	v7 =	vor.u32 v7, v8  }
0xf5: {  	v8 =	vperm.xlane v7, v4;
	_ =	sdelay $0x1  }
0xf6: {  	v8 =	vadd.s32 v5, v8;
	_ =	sdelay $0x3  }
0xf7: {  	s26 =	simm.s32 $0xD480;
	v7 =	vperm.xlane v7, v6  }
0xf8: {  	[tilespmem:s26], [sflag:$0x4] =	stream.indirect_vreg.gather [hbm4b:s1+s4], $0x80, v8, vm0, $0xb8;
	[tilespmem:$0x19688] =	vst v63  }
0xf9: {  	s28 =	simm.s32 $0xDC80;
	v7 =	vadd.s32 v5, v7  }
0xfa: {  	[tilespmem:s28], [sflag:$0x4] =	stream.indirect_vreg.gather [hbm4b:s8+s4], $0x80, v8, vm0, $0xb8;
	[tilespmem:$0x19688] =	vst v63  }
0xfb: {  	s3 =	simm.s32 $0xE480  }
0xfc: {  	[tilespmem:s3], [sflag:$0x4] =	stream.indirect_vreg.gather [hbm4b:s10+s4], $0x80, v8, vm0, $0xb8;
	[tilespmem:$0x19688] =	vst v63  }
0xfd: {  	s6 =	simm.s32 $0xEC80  }
0xfe: {  	[tilespmem:s6], [sflag:$0x4] =	stream.indirect_vreg.gather [hbm4b:s1+s4], $0x80, v7, vm0, $0xb8;
	[tilespmem:$0x19688] =	vst v63  }
0xff: {  	s7 =	simm.s32 $0xF480  }
0x100: {  	[tilespmem:s7], [sflag:$0x4] =	stream.indirect_vreg.gather [hbm4b:s8+s4], $0x80, v7, vm0, $0xb8;
	[tilespmem:$0x19688] =	vst v63  }
0x101: {  	s14 =	simm.s32 $0xFC80  }
0x102: {  	[tilespmem:s14], [sflag:$0x4] =	stream.indirect_vreg.gather [hbm4b:s10+s4], $0x80, v7, vm0, $0xb8;
	[tilespmem:$0x19688] =	vst v63  }
0x103: {  	v7 =	vld [tilespmem:$0x12D0];
	_ =	sdelay $0x4  }
0x104: {  	v8 =	vshrl.u32 v7, $0x3  }
0x105: {  	v8 =	vmul.u32 $0x30, v8  }
0x106: {  	v7 =	vand.u32 $0x7, v7  }
0x107: {  	v7 =	vor.u32 v7, v8  }
0x108: {  	v8 =	vperm.xlane v7, v4;
	_ =	sdelay $0x1  }
0x109: {  	v8 =	vadd.s32 v5, v8;
	_ =	sdelay $0x3  }
0x10a: {  	s15 =	simm.s32 $0x10480;
	v7 =	vperm.xlane v7, v6  }
0x10b: {  	[tilespmem:s15], [sflag:$0x4] =	stream.indirect_vreg.gather [hbm4b:s1+s4], $0x80, v8, vm0, $0xb8;
	[tilespmem:$0x19688] =	vst v63  }
0x10c: {  	s25 =	simm.s32 $0x10C80;
	v7 =	vadd.s32 v5, v7  }
0x10d: {  	[tilespmem:s25], [sflag:$0x4] =	stream.indirect_vreg.gather [hbm4b:s8+s4], $0x80, v8, vm0, $0xb8;
	[tilespmem:$0x19688] =	vst v63  }
0x10e: {  	s26 =	simm.s32 $0x11480  }
0x10f: {  	[tilespmem:s26], [sflag:$0x4] =	stream.indirect_vreg.gather [hbm4b:s10+s4], $0x80, v8, vm0, $0xb8;
	[tilespmem:$0x19688] =	vst v63  }
0x110: {  	s28 =	simm.s32 $0x11C80  }
0x111: {  	[tilespmem:s28], [sflag:$0x4] =	stream.indirect_vreg.gather [hbm4b:s1+s4], $0x80, v7, vm0, $0xb8;
	[tilespmem:$0x19688] =	vst v63  }
0x112: {  	s3 =	simm.s32 $0x12480  }
0x113: {  	[tilespmem:s3], [sflag:$0x4] =	stream.indirect_vreg.gather [hbm4b:s8+s4], $0x80, v7, vm0, $0xb8;
	[tilespmem:$0x19688] =	vst v63  }
0x114: {  	s6 =	simm.s32 $0x12C80  }
0x115: {  	[tilespmem:s6], [sflag:$0x4] =	stream.indirect_vreg.gather [hbm4b:s10+s4], $0x80, v7, vm0, $0xb8;
	[tilespmem:$0x19688] =	vst v63  }
0x116: {  	v7 =	vld [tilespmem:$0x12E0];
	_ =	sdelay $0x4  }
0x117: {  	v8 =	vshrl.u32 v7, $0x3  }
0x118: {  	v8 =	vmul.u32 $0x30, v8  }
0x119: {  	v7 =	vand.u32 $0x7, v7  }
0x11a: {  	v7 =	vor.u32 v7, v8  }
0x11b: {  	v8 =	vperm.xlane v7, v4;
	_ =	sdelay $0x1  }
0x11c: {  	v8 =	vadd.s32 v5, v8;
	_ =	sdelay $0x3  }
0x11d: {  	v7 =	vperm.xlane v7, v6  }
0x11e: {  	[tilespmem:s16], [sflag:$0x5] =	stream.indirect_vreg.gather [hbm4b:s1+s4], $0x80, v8, vm0, $0xb8;
	[tilespmem:$0x19688] =	vst v63  }
0x11f: {  	s7 =	simm.s32 $0x13C80;
	v7 =	vadd.s32 v5, v7  }
0x120: {  	[tilespmem:s7], [sflag:$0x5] =	stream.indirect_vreg.gather [hbm4b:s8+s4], $0x80, v8, vm0, $0xb8;
	[tilespmem:$0x19688] =	vst v63  }
0x121: {  	s28 =	simm.s32 $0x14480  }
0x122: {  	[tilespmem:s28], [sflag:$0x5] =	stream.indirect_vreg.gather [hbm4b:s10+s4], $0x80, v8, vm0, $0xb8;
	[tilespmem:$0x19688] =	vst v63  }
0x123: {  	s3 =	simm.s32 $0x14C80  }
0x124: {  	[tilespmem:s3], [sflag:$0x5] =	stream.indirect_vreg.gather [hbm4b:s1+s4], $0x80, v7, vm0, $0xb8;
	[tilespmem:$0x19688] =	vst v63  }
0x125: {  	s5 =	simm.s32 $0x15480  }
0x126: {  	[tilespmem:s5], [sflag:$0x5] =	stream.indirect_vreg.gather [hbm4b:s8+s4], $0x80, v7, vm0, $0xb8;
	[tilespmem:$0x19688] =	vst v63  }
0x127: {  	s7 =	simm.s32 $0x15C80  }
0x128: {  	[tilespmem:s7], [sflag:$0x5] =	stream.indirect_vreg.gather [hbm4b:s10+s4], $0x80, v7, vm0, $0xb8;
	[tilespmem:$0x19688] =	vst v63  }
0x129: {  	v7 =	vld [tilespmem:$0x12F0];
	_ =	sdelay $0x4  }
0x12a: {  	v8 =	vshrl.u32 v7, $0x3  }
0x12b: {  	v8 =	vmul.u32 $0x30, v8  }
0x12c: {  	v7 =	vand.u32 $0x7, v7  }
0x12d: {  	v7 =	vor.u32 v7, v8  }
0x12e: {  	v8 =	vperm.xlane v7, v4;
	_ =	sdelay $0x1  }
0x12f: {  	v8 =	vadd.s32 v5, v8;
	_ =	sdelay $0x3  }
0x130: {  	s28 =	simm.s32 $0x16480;
	v7 =	vperm.xlane v7, v6  }
0x131: {  	[tilespmem:s28], [sflag:$0x5] =	stream.indirect_vreg.gather [hbm4b:s1+s4], $0x80, v8, vm0, $0xb8;
	[tilespmem:$0x19688] =	vst v63  }
0x132: {  	s3 =	simm.s32 $0x16C80;
	v7 =	vadd.s32 v5, v7  }
0x133: {  	[tilespmem:s3], [sflag:$0x5] =	stream.indirect_vreg.gather [hbm4b:s8+s4], $0x80, v8, vm0, $0xb8;
	[tilespmem:$0x19688] =	vst v63  }
0x134: {  	s5 =	simm.s32 $0x17480  }
0x135: {  	[tilespmem:s5], [sflag:$0x5] =	stream.indirect_vreg.gather [hbm4b:s10+s4], $0x80, v8, vm0, $0xb8;
	[tilespmem:$0x19688] =	vst v63  }
0x136: {  	s7 =	simm.s32 $0x17C80  }
0x137: {  	[tilespmem:s7], [sflag:$0x5] =	stream.indirect_vreg.gather [hbm4b:s1+s4], $0x80, v7, vm0, $0xb8;
	[tilespmem:$0x19688] =	vst v63  }
0x138: {  	s28 =	simm.s32 $0x18480  }
0x139: {  	[tilespmem:s28], [sflag:$0x5] =	stream.indirect_vreg.gather [hbm4b:s8+s4], $0x80, v7, vm0, $0xb8;
	[tilespmem:$0x19688] =	vst v63  }
0x13a: {  	s3 =	simm.s32 $0x18C80  }
0x13b: {  	[tilespmem:s3], [sflag:$0x5] =	stream.indirect_vreg.gather [hbm4b:s10+s4], $0x80, v7, vm0, $0xb8;
	[tilespmem:$0x19688] =	vst v63  }
0x13c: {  	_ =	swait.ge [sflag:s17], $0x6000  }
0x13d: {  	[sflag:s17] =	ssyncset.done $0x0  }
0x13e: {  	s7 =	simm.s32 $0x1480;
	s5 =	rddreg [dreg:$0x8];
	[sflag:s17] =	ssyncadd.s32 $0xFFFFA000  }
0x13f: {  	[hbm4b:s5+s4] =	stream.linear.scatter [tilespmem:s7], [sflag:$0x6], $0x6000, $0x38;
	[tilespmem:$0x19688] =	vst v63  }
0x140: {  	_ =	swait.ge [sflag:s30], $0x6000  }
0x141: {  	[sflag:s30] =	ssyncset.done $0x0  }
0x142: {  	[sflag:s30] =	ssyncadd.s32 $0xFFFFA000  }
0x143: {  	v7 =	vld [tilespmem:$0x1300];
	_ =	sdelay $0x4  }
0x144: {  	v8 =	vshrl.u32 v7, $0x3  }
0x145: {  	v8 =	vmul.u32 $0x30, v8  }
0x146: {  	v7 =	vand.u32 $0x7, v7  }
0x147: {  	v7 =	vor.u32 v7, v8  }
0x148: {  	v8 =	vperm.xlane v7, v4;
	_ =	sdelay $0x1  }
0x149: {  	v8 =	vadd.s32 v5, v8;
	_ =	sdelay $0x3  }
0x14a: {  	v7 =	vperm.xlane v7, v6  }
0x14b: {  	[tilespmem:s7], [sflag:$0x2] =	stream.indirect_vreg.gather [hbm4b:s1+s4], $0x80, v8, vm0, $0xb8;
	[tilespmem:$0x19688] =	vst v63  }
0x14c: {  	s18 =	simm.s32 $0x1C80;
	v7 =	vadd.s32 v5, v7  }
0x14d: {  	[tilespmem:s18], [sflag:$0x2] =	stream.indirect_vreg.gather [hbm4b:s8+s4], $0x80, v8, vm0, $0xb8;
	[tilespmem:$0x19688] =	vst v63  }
0x14e: {  	s20 =	simm.s32 $0x2480  }
0x14f: {  	[tilespmem:s20], [sflag:$0x2] =	stream.indirect_vreg.gather [hbm4b:s10+s4], $0x80, v8, vm0, $0xb8;
	[tilespmem:$0x19688] =	vst v63  }
0x150: {  	s7 =	simm.s32 $0x2C80  }
0x151: {  	[tilespmem:s7], [sflag:$0x2] =	stream.indirect_vreg.gather [hbm4b:s1+s4], $0x80, v7, vm0, $0xb8;
	[tilespmem:$0x19688] =	vst v63  }
0x152: {  	s9 =	simm.s32 $0x3480  }
0x153: {  	[tilespmem:s9], [sflag:$0x2] =	stream.indirect_vreg.gather [hbm4b:s8+s4], $0x80, v7, vm0, $0xb8;
	[tilespmem:$0x19688] =	vst v63  }
0x154: {  	s21 =	simm.s32 $0x3C80  }
0x155: {  	[tilespmem:s21], [sflag:$0x2] =	stream.indirect_vreg.gather [hbm4b:s10+s4], $0x80, v7, vm0, $0xb8;
	[tilespmem:$0x19688] =	vst v63  }
0x156: {  	v7 =	vld [tilespmem:$0x1310];
	_ =	sdelay $0x4  }
0x157: {  	v8 =	vshrl.u32 v7, $0x3  }
0x158: {  	v8 =	vmul.u32 $0x30, v8  }
0x159: {  	v7 =	vand.u32 $0x7, v7  }
0x15a: {  	v7 =	vor.u32 v7, v8  }
0x15b: {  	v8 =	vperm.xlane v7, v4;
	_ =	sdelay $0x1  }
0x15c: {  	v8 =	vadd.s32 v5, v8;
	_ =	sdelay $0x3  }
0x15d: {  	s21 =	simm.s32 $0x4480;
	v7 =	vperm.xlane v7, v6  }
0x15e: {  	[tilespmem:s21], [sflag:$0x2] =	stream.indirect_vreg.gather [hbm4b:s1+s4], $0x80, v8, vm0, $0xb8;
	[tilespmem:$0x19688] =	vst v63  }
0x15f: {  	s24 =	simm.s32 $0x4C80;
	v7 =	vadd.s32 v5, v7  }
0x160: {  	[tilespmem:s24], [sflag:$0x2] =	stream.indirect_vreg.gather [hbm4b:s8+s4], $0x80, v8, vm0, $0xb8;
	[tilespmem:$0x19688] =	vst v63  }
0x161: {  	s5 =	simm.s32 $0x5480  }
0x162: {  	[tilespmem:s5], [sflag:$0x2] =	stream.indirect_vreg.gather [hbm4b:s10+s4], $0x80, v8, vm0, $0xb8;
	[tilespmem:$0x19688] =	vst v63  }
0x163: {  	s28 =	simm.s32 $0x5C80  }
0x164: {  	[tilespmem:s28], [sflag:$0x2] =	stream.indirect_vreg.gather [hbm4b:s1+s4], $0x80, v7, vm0, $0xb8;
	[tilespmem:$0x19688] =	vst v63  }
0x165: {  	s9 =	simm.s32 $0x6480  }
0x166: {  	[tilespmem:s9], [sflag:$0x2] =	stream.indirect_vreg.gather [hbm4b:s8+s4], $0x80, v7, vm0, $0xb8;
	[tilespmem:$0x19688] =	vst v63  }
0x167: {  	s18 =	simm.s32 $0x6C80  }
0x168: {  	[tilespmem:s18], [sflag:$0x2] =	stream.indirect_vreg.gather [hbm4b:s10+s4], $0x80, v7, vm0, $0xb8;
	[tilespmem:$0x19688] =	vst v63  }
0x169: {  	s18 =	simm.s32 $0x3  }
0x16a: {  	_ =	swait.ge [sflag:s18], $0x6000  }
0x16b: {  	[sflag:s18] =	ssyncset.done $0x0  }
0x16c: {  	s24 =	simm.s32 $0x7480;
	s20 =	rddreg [dreg:$0x9];
	[sflag:s18] =	ssyncadd.s32 $0xFFFFA000  }
0x16d: {  	[hbm4b:s20+s4] =	stream.linear.scatter [tilespmem:s24], [sflag:$0x7], $0x6000, $0x38;
	[tilespmem:$0x19688] =	vst v63  }
0x16e: {  	s20 =	simm.s32 $0x7  }
0x16f: {  	_ =	swait.ge [sflag:s20], $0x6000  }
0x170: {  	[sflag:s20] =	ssyncset.done $0x0  }
0x171: {  	[sflag:s20] =	ssyncadd.s32 $0xFFFFA000  }
0x172: {  	v7 =	vld [tilespmem:$0x1320];
	_ =	sdelay $0x4  }
0x173: {  	v8 =	vshrl.u32 v7, $0x3  }
0x174: {  	v8 =	vmul.u32 $0x30, v8  }
0x175: {  	v7 =	vand.u32 $0x7, v7  }
0x176: {  	v7 =	vor.u32 v7, v8  }
0x177: {  	v8 =	vperm.xlane v7, v4;
	_ =	sdelay $0x1  }
0x178: {  	v8 =	vadd.s32 v5, v8;
	_ =	sdelay $0x3  }
0x179: {  	v7 =	vperm.xlane v7, v6  }
0x17a: {  	[tilespmem:s24], [sflag:$0x3] =	stream.indirect_vreg.gather [hbm4b:s1+s4], $0x80, v8, vm0, $0xb8;
	[tilespmem:$0x19688] =	vst v63  }
0x17b: {  	s11 =	simm.s32 $0x7C80;
	v7 =	vadd.s32 v5, v7  }
0x17c: {  	[tilespmem:s11], [sflag:$0x3] =	stream.indirect_vreg.gather [hbm4b:s8+s4], $0x80, v8, vm0, $0xb8;
	[tilespmem:$0x19688] =	vst v63  }
0x17d: {  	s12 =	simm.s32 $0x8480  }
0x17e: {  	[tilespmem:s12], [sflag:$0x3] =	stream.indirect_vreg.gather [hbm4b:s10+s4], $0x80, v8, vm0, $0xb8;
	[tilespmem:$0x19688] =	vst v63  }
0x17f: {  	s13 =	simm.s32 $0x8C80  }
0x180: {  	[tilespmem:s13], [sflag:$0x3] =	stream.indirect_vreg.gather [hbm4b:s1+s4], $0x80, v7, vm0, $0xb8;
	[tilespmem:$0x19688] =	vst v63  }
0x181: {  	s22 =	simm.s32 $0x9480  }
0x182: {  	[tilespmem:s22], [sflag:$0x3] =	stream.indirect_vreg.gather [hbm4b:s8+s4], $0x80, v7, vm0, $0xb8;
	[tilespmem:$0x19688] =	vst v63  }
0x183: {  	s19 =	simm.s32 $0x9C80  }
0x184: {  	[tilespmem:s19], [sflag:$0x3] =	stream.indirect_vreg.gather [hbm4b:s10+s4], $0x80, v7, vm0, $0xb8;
	[tilespmem:$0x19688] =	vst v63  }
0x185: {  	v7 =	vld [tilespmem:$0x1330];
	_ =	sdelay $0x4  }
0x186: {  	v8 =	vshrl.u32 v7, $0x3  }
0x187: {  	v8 =	vmul.u32 $0x30, v8  }
0x188: {  	v7 =	vand.u32 $0x7, v7  }
0x189: {  	v7 =	vor.u32 v7, v8  }
0x18a: {  	v8 =	vperm.xlane v7, v4;
	_ =	sdelay $0x1  }
0x18b: {  	v8 =	vadd.s32 v5, v8;
	_ =	sdelay $0x3  }
0x18c: {  	s24 =	simm.s32 $0xA480;
	v7 =	vperm.xlane v7, v6  }
0x18d: {  	[tilespmem:s24], [sflag:$0x3] =	stream.indirect_vreg.gather [hbm4b:s1+s4], $0x80, v8, vm0, $0xb8;
	[tilespmem:$0x19688] =	vst v63  }
0x18e: {  	s23 =	simm.s32 $0xAC80;
	v7 =	vadd.s32 v5, v7  }
0x18f: {  	[tilespmem:s23], [sflag:$0x3] =	stream.indirect_vreg.gather [hbm4b:s8+s4], $0x80, v8, vm0, $0xb8;
	[tilespmem:$0x19688] =	vst v63  }
0x190: {  	s29 =	simm.s32 $0xB480  }
0x191: {  	[tilespmem:s29], [sflag:$0x3] =	stream.indirect_vreg.gather [hbm4b:s10+s4], $0x80, v8, vm0, $0xb8;
	[tilespmem:$0x19688] =	vst v63  }
0x192: {  	s31 =	simm.s32 $0xBC80  }
0x193: {  	[tilespmem:s31], [sflag:$0x3] =	stream.indirect_vreg.gather [hbm4b:s1+s4], $0x80, v7, vm0, $0xb8;
	[tilespmem:$0x19688] =	vst v63  }
0x194: {  	s19 =	simm.s32 $0xC480  }
0x195: {  	[tilespmem:s19], [sflag:$0x3] =	stream.indirect_vreg.gather [hbm4b:s8+s4], $0x80, v7, vm0, $0xb8;
	[tilespmem:$0x19688] =	vst v63  }
0x196: {  	s9 =	simm.s32 $0xCC80;
	s22 =	simm.s32 $0x4  }
0x197: {  	[tilespmem:s9], [sflag:$0x3] =	stream.indirect_vreg.gather [hbm4b:s10+s4], $0x80, v7, vm0, $0xb8;
	[tilespmem:$0x19688] =	vst v63  }
0x198: {  	_ =	swait.ge [sflag:s22], $0x6000  }
0x199: {  	s13 =	simm.s32 $0xD480;
	[sflag:s22] =	ssyncset.done $0x0  }
0x19a: {  	s23 =	simm.s32 $0x8;
	s12 =	rddreg [dreg:$0xa];
	[sflag:s22] =	ssyncadd.s32 $0xFFFFA000  }
0x19b: {  	[hbm4b:s12+s4] =	stream.linear.scatter [tilespmem:s13], [sflag:$0x8], $0x6000, $0x38;
	[tilespmem:$0x19688] =	vst v63  }
0x19c: {  	_ =	swait.ge [sflag:s23], $0x6000  }
0x19d: {  	[sflag:s23] =	ssyncset.done $0x0  }
0x19e: {  	[sflag:s23] =	ssyncadd.s32 $0xFFFFA000  }
0x19f: {  	v7 =	vld [tilespmem:$0x1340];
	_ =	sdelay $0x4  }
0x1a0: {  	v8 =	vshrl.u32 v7, $0x3  }
0x1a1: {  	v8 =	vmul.u32 $0x30, v8  }
0x1a2: {  	v7 =	vand.u32 $0x7, v7  }
0x1a3: {  	v7 =	vor.u32 v7, v8  }
0x1a4: {  	v8 =	vperm.xlane v7, v4;
	_ =	sdelay $0x1  }
0x1a5: {  	v8 =	vadd.s32 v5, v8;
	_ =	sdelay $0x3  }
0x1a6: {  	v7 =	vperm.xlane v7, v6  }
0x1a7: {  	[tilespmem:s13], [sflag:$0x4] =	stream.indirect_vreg.gather [hbm4b:s1+s4], $0x80, v8, vm0, $0xb8;
	[tilespmem:$0x19688] =	vst v63  }
0x1a8: {  	s31 =	simm.s32 $0xDC80;
	v7 =	vadd.s32 v5, v7  }
0x1a9: {  	[tilespmem:s31], [sflag:$0x4] =	stream.indirect_vreg.gather [hbm4b:s8+s4], $0x80, v8, vm0, $0xb8;
	[tilespmem:$0x19688] =	vst v63  }
0x1aa: {  	s11 =	simm.s32 $0xE480  }
0x1ab: {  	[tilespmem:s11], [sflag:$0x4] =	stream.indirect_vreg.gather [hbm4b:s10+s4], $0x80, v8, vm0, $0xb8;
	[tilespmem:$0x19688] =	vst v63  }
0x1ac: {  	s12 =	simm.s32 $0xEC80  }
0x1ad: {  	[tilespmem:s12], [sflag:$0x4] =	stream.indirect_vreg.gather [hbm4b:s1+s4], $0x80, v7, vm0, $0xb8;
	[tilespmem:$0x19688] =	vst v63  }
0x1ae: {  	s13 =	simm.s32 $0xF480  }
0x1af: {  	[tilespmem:s13], [sflag:$0x4] =	stream.indirect_vreg.gather [hbm4b:s8+s4], $0x80, v7, vm0, $0xb8;
	[tilespmem:$0x19688] =	vst v63  }
0x1b0: {  	s14 =	simm.s32 $0xFC80  }
0x1b1: {  	[tilespmem:s14], [sflag:$0x4] =	stream.indirect_vreg.gather [hbm4b:s10+s4], $0x80, v7, vm0, $0xb8;
	[tilespmem:$0x19688] =	vst v63  }
0x1b2: {  	v7 =	vld [tilespmem:$0x1350];
	_ =	sdelay $0x4  }
0x1b3: {  	v8 =	vshrl.u32 v7, $0x3  }
0x1b4: {  	v8 =	vmul.u32 $0x30, v8  }
0x1b5: {  	v7 =	vand.u32 $0x7, v7  }
0x1b6: {  	v7 =	vor.u32 v7, v8  }
0x1b7: {  	v8 =	vperm.xlane v7, v4;
	_ =	sdelay $0x1  }
0x1b8: {  	v8 =	vadd.s32 v5, v8;
	_ =	sdelay $0x3  }
0x1b9: {  	s15 =	simm.s32 $0x10480;
	v7 =	vperm.xlane v7, v6  }
0x1ba: {  	[tilespmem:s15], [sflag:$0x4] =	stream.indirect_vreg.gather [hbm4b:s1+s4], $0x80, v8, vm0, $0xb8;
	[tilespmem:$0x19688] =	vst v63  }
0x1bb: {  	s14 =	simm.s32 $0x10C80;
	v7 =	vadd.s32 v5, v7  }
0x1bc: {  	[tilespmem:s14], [sflag:$0x4] =	stream.indirect_vreg.gather [hbm4b:s8+s4], $0x80, v8, vm0, $0xb8;
	[tilespmem:$0x19688] =	vst v63  }
0x1bd: {  	s15 =	simm.s32 $0x11480  }
0x1be: {  	[tilespmem:s15], [sflag:$0x4] =	stream.indirect_vreg.gather [hbm4b:s10+s4], $0x80, v8, vm0, $0xb8;
	[tilespmem:$0x19688] =	vst v63  }
0x1bf: {  	s29 =	simm.s32 $0x11C80  }
0x1c0: {  	[tilespmem:s29], [sflag:$0x4] =	stream.indirect_vreg.gather [hbm4b:s1+s4], $0x80, v7, vm0, $0xb8;
	[tilespmem:$0x19688] =	vst v63  }
0x1c1: {  	s25 =	simm.s32 $0x12480  }
0x1c2: {  	[tilespmem:s25], [sflag:$0x4] =	stream.indirect_vreg.gather [hbm4b:s8+s4], $0x80, v7, vm0, $0xb8;
	[tilespmem:$0x19688] =	vst v63  }
0x1c3: {  	s26 =	simm.s32 $0x12C80;
	s25 =	simm.s32 $0x5  }
0x1c4: {  	[tilespmem:s26], [sflag:$0x4] =	stream.indirect_vreg.gather [hbm4b:s10+s4], $0x80, v7, vm0, $0xb8;
	[tilespmem:$0x19688] =	vst v63  }
0x1c5: {  	_ =	swait.ge [sflag:s25], $0x6000  }
0x1c6: {  	[sflag:s25] =	ssyncset.done $0x0  }
0x1c7: {  	s26 =	rddreg [dreg:$0x17];
	[sflag:s25] =	ssyncadd.s32 $0xFFFFA000  }
0x1c8: {  	[hbm4b:s26+s4] =	stream.linear.scatter [tilespmem:s16], [sflag:$0x9], $0x6000, $0x38;
	[tilespmem:$0x19688] =	vst v63  }
0x1c9: {  	s26 =	simm.s32 $0x9  }
0x1ca: {  	_ =	swait.ge [sflag:s26], $0x6000  }
0x1cb: {  	[sflag:s26] =	ssyncset.done $0x0  }
0x1cc: {  	[sflag:s26] =	ssyncadd.s32 $0xFFFFA000  }
0x1cd: {  	v7 =	vld [tilespmem:$0x1360];
	_ =	sdelay $0x4  }
0x1ce: {  	v8 =	vshrl.u32 v7, $0x3  }
0x1cf: {  	v8 =	vmul.u32 $0x30, v8  }
0x1d0: {  	v7 =	vand.u32 $0x7, v7  }
0x1d1: {  	v7 =	vor.u32 v7, v8  }
0x1d2: {  	v8 =	vperm.xlane v7, v4;
	_ =	sdelay $0x1  }
0x1d3: {  	v8 =	vadd.s32 v5, v8;
	_ =	sdelay $0x3  }
0x1d4: {  	v7 =	vperm.xlane v7, v6  }
0x1d5: {  	[tilespmem:s16], [sflag:$0x5] =	stream.indirect_vreg.gather [hbm4b:s1+s4], $0x80, v8, vm0, $0xb8;
	[tilespmem:$0x19688] =	vst v63  }
0x1d6: {  	s6 =	simm.s32 $0x13C80;
	v7 =	vadd.s32 v5, v7  }
0x1d7: {  	[tilespmem:s6], [sflag:$0x5] =	stream.indirect_vreg.gather [hbm4b:s8+s4], $0x80, v8, vm0, $0xb8;
	[tilespmem:$0x19688] =	vst v63  }
0x1d8: {  	s6 =	simm.s32 $0x14480  }
0x1d9: {  	[tilespmem:s6], [sflag:$0x5] =	stream.indirect_vreg.gather [hbm4b:s10+s4], $0x80, v8, vm0, $0xb8;
	[tilespmem:$0x19688] =	vst v63  }
0x1da: {  	s6 =	simm.s32 $0x14C80  }
0x1db: {  	[tilespmem:s6], [sflag:$0x5] =	stream.indirect_vreg.gather [hbm4b:s1+s4], $0x80, v7, vm0, $0xb8;
	[tilespmem:$0x19688] =	vst v63  }
0x1dc: {  	s6 =	simm.s32 $0x15480  }
0x1dd: {  	[tilespmem:s6], [sflag:$0x5] =	stream.indirect_vreg.gather [hbm4b:s8+s4], $0x80, v7, vm0, $0xb8;
	[tilespmem:$0x19688] =	vst v63  }
0x1de: {  	s6 =	simm.s32 $0x15C80  }
0x1df: {  	[tilespmem:s6], [sflag:$0x5] =	stream.indirect_vreg.gather [hbm4b:s10+s4], $0x80, v7, vm0, $0xb8;
	[tilespmem:$0x19688] =	vst v63  }
0x1e0: {  	v7 =	vld [tilespmem:$0x1370];
	_ =	sdelay $0x4  }
0x1e1: {  	v8 =	vshrl.u32 v7, $0x3  }
0x1e2: {  	v8 =	vmul.u32 $0x30, v8  }
0x1e3: {  	v7 =	vand.u32 $0x7, v7  }
0x1e4: {  	v7 =	vor.u32 v7, v8  }
0x1e5: {  	v8 =	vperm.xlane v7, v4;
	_ =	sdelay $0x1  }
0x1e6: {  	v8 =	vadd.s32 v5, v8;
	_ =	sdelay $0x3  }
0x1e7: {  	s6 =	simm.s32 $0x16480;
	v7 =	vperm.xlane v7, v6  }
0x1e8: {  	[tilespmem:s6], [sflag:$0x5] =	stream.indirect_vreg.gather [hbm4b:s1+s4], $0x80, v8, vm0, $0xb8;
	[tilespmem:$0x19688] =	vst v63  }
0x1e9: {  	v7 =	vadd.s32 v5, v7;
	s6 =	simm.s32 $0x16C80  }
0x1ea: {  	[tilespmem:s6], [sflag:$0x5] =	stream.indirect_vreg.gather [hbm4b:s8+s4], $0x80, v8, vm0, $0xb8;
	[tilespmem:$0x19688] =	vst v63  }
0x1eb: {  	s6 =	simm.s32 $0x17480  }
0x1ec: {  	[tilespmem:s6], [sflag:$0x5] =	stream.indirect_vreg.gather [hbm4b:s10+s4], $0x80, v8, vm0, $0xb8;
	[tilespmem:$0x19688] =	vst v63  }
0x1ed: {  	s6 =	simm.s32 $0x17C80  }
0x1ee: {  	[tilespmem:s6], [sflag:$0x5] =	stream.indirect_vreg.gather [hbm4b:s1+s4], $0x80, v7, vm0, $0xb8;
	[tilespmem:$0x19688] =	vst v63  }
0x1ef: {  	s6 =	simm.s32 $0x18480  }
0x1f0: {  	[tilespmem:s6], [sflag:$0x5] =	stream.indirect_vreg.gather [hbm4b:s8+s4], $0x80, v7, vm0, $0xb8;
	[tilespmem:$0x19688] =	vst v63  }
0x1f1: {  	s6 =	simm.s32 $0x18C80  }
0x1f2: {  	[tilespmem:s6], [sflag:$0x5] =	stream.indirect_vreg.gather [hbm4b:s10+s4], $0x80, v7, vm0, $0xb8;
	[tilespmem:$0x19688] =	vst v63  }
0x1f3: {  	_ =	swait.ge [sflag:s17], $0x6000  }
0x1f4: {  	[sflag:s17] =	ssyncset.done $0x0  }
0x1f5: {  	s3 =	simm.s32 $0x1480;
	s6 =	rddreg [dreg:$0x18];
	[sflag:s17] =	ssyncadd.s32 $0xFFFFA000  }
0x1f6: {  	[hbm4b:s6+s4] =	stream.linear.scatter [tilespmem:s3], [sflag:$0x6], $0x6000, $0x38;
	[tilespmem:$0x19688] =	vst v63  }
0x1f7: {  	_ =	swait.ge [sflag:s30], $0x6000  }
0x1f8: {  	[sflag:s30] =	ssyncset.done $0x0  }
0x1f9: {  	[sflag:s30] =	ssyncadd.s32 $0xFFFFA000  }
0x1fa: {  	v7 =	vld [tilespmem:$0x1380];
	_ =	sdelay $0x4  }
0x1fb: {  	v8 =	vshrl.u32 v7, $0x3  }
0x1fc: {  	v8 =	vmul.u32 $0x30, v8  }
0x1fd: {  	v7 =	vand.u32 $0x7, v7  }
0x1fe: {  	v7 =	vor.u32 v7, v8  }
0x1ff: {  	v8 =	vperm.xlane v7, v4;
	_ =	sdelay $0x1  }
0x200: {  	v8 =	vadd.s32 v5, v8;
	_ =	sdelay $0x3  }
0x201: {  	v7 =	vperm.xlane v7, v6  }
0x202: {  	[tilespmem:s3], [sflag:$0x2] =	stream.indirect_vreg.gather [hbm4b:s1+s4], $0x80, v8, vm0, $0xb8;
	[tilespmem:$0x19688] =	vst v63  }
0x203: {  	s6 =	simm.s32 $0x1C80;
	v7 =	vadd.s32 v5, v7  }
0x204: {  	[tilespmem:s6], [sflag:$0x2] =	stream.indirect_vreg.gather [hbm4b:s8+s4], $0x80, v8, vm0, $0xb8;
	[tilespmem:$0x19688] =	vst v63  }
0x205: {  	s6 =	simm.s32 $0x2480  }
0x206: {  	[tilespmem:s6], [sflag:$0x2] =	stream.indirect_vreg.gather [hbm4b:s10+s4], $0x80, v8, vm0, $0xb8;
	[tilespmem:$0x19688] =	vst v63  }
0x207: {  	_ = 	snop  }
0x208: {  	[tilespmem:s7], [sflag:$0x2] =	stream.indirect_vreg.gather [hbm4b:s1+s4], $0x80, v7, vm0, $0xb8;
	[tilespmem:$0x19688] =	vst v63  }
0x209: {  	s6 =	simm.s32 $0x3480  }
0x20a: {  	[tilespmem:s6], [sflag:$0x2] =	stream.indirect_vreg.gather [hbm4b:s8+s4], $0x80, v7, vm0, $0xb8;
	[tilespmem:$0x19688] =	vst v63  }
0x20b: {  	s7 =	simm.s32 $0x3C80  }
0x20c: {  	[tilespmem:s7], [sflag:$0x2] =	stream.indirect_vreg.gather [hbm4b:s10+s4], $0x80, v7, vm0, $0xb8;
	[tilespmem:$0x19688] =	vst v63  }
0x20d: {  	v7 =	vld [tilespmem:$0x1390];
	_ =	sdelay $0x4  }
0x20e: {  	v8 =	vshrl.u32 v7, $0x3  }
0x20f: {  	v8 =	vmul.u32 $0x30, v8  }
0x210: {  	v7 =	vand.u32 $0x7, v7  }
0x211: {  	v7 =	vor.u32 v7, v8  }
0x212: {  	v8 =	vperm.xlane v7, v4;
	_ =	sdelay $0x1  }
0x213: {  	v8 =	vadd.s32 v5, v8;
	_ =	sdelay $0x3  }
0x214: {  	v7 =	vperm.xlane v7, v6  }
0x215: {  	[tilespmem:s21], [sflag:$0x2] =	stream.indirect_vreg.gather [hbm4b:s1+s4], $0x80, v8, vm0, $0xb8;
	[tilespmem:$0x19688] =	vst v63  }
0x216: {  	v7 =	vadd.s32 v5, v7;
	s21 =	simm.s32 $0x4C80  }
0x217: {  	[tilespmem:s21], [sflag:$0x2] =	stream.indirect_vreg.gather [hbm4b:s8+s4], $0x80, v8, vm0, $0xb8;
	[tilespmem:$0x19688] =	vst v63  }
0x218: {  	_ = 	snop  }
0x219: {  	[tilespmem:s5], [sflag:$0x2] =	stream.indirect_vreg.gather [hbm4b:s10+s4], $0x80, v8, vm0, $0xb8;
	[tilespmem:$0x19688] =	vst v63  }
0x21a: {  	_ = 	snop  }
0x21b: {  	[tilespmem:s28], [sflag:$0x2] =	stream.indirect_vreg.gather [hbm4b:s1+s4], $0x80, v7, vm0, $0xb8;
	[tilespmem:$0x19688] =	vst v63  }
0x21c: {  	s28 =	simm.s32 $0x6480  }
0x21d: {  	[tilespmem:s28], [sflag:$0x2] =	stream.indirect_vreg.gather [hbm4b:s8+s4], $0x80, v7, vm0, $0xb8;
	[tilespmem:$0x19688] =	vst v63  }
0x21e: {  	s6 =	simm.s32 $0x6C80  }
0x21f: {  	[tilespmem:s6], [sflag:$0x2] =	stream.indirect_vreg.gather [hbm4b:s10+s4], $0x80, v7, vm0, $0xb8;
	[tilespmem:$0x19688] =	vst v63  }
0x220: {  	_ =	swait.ge [sflag:s18], $0x6000  }
0x221: {  	[sflag:s18] =	ssyncset.done $0x0  }
0x222: {  	s21 =	simm.s32 $0x7480;
	s7 =	rddreg [dreg:$0x19];
	[sflag:s18] =	ssyncadd.s32 $0xFFFFA000  }
0x223: {  	[hbm4b:s7+s4] =	stream.linear.scatter [tilespmem:s21], [sflag:$0x7], $0x6000, $0x38;
	[tilespmem:$0x19688] =	vst v63  }
0x224: {  	_ =	swait.ge [sflag:s20], $0x6000  }
0x225: {  	[sflag:s20] =	ssyncset.done $0x0  }
0x226: {  	[sflag:s20] =	ssyncadd.s32 $0xFFFFA000  }
0x227: {  	v7 =	vld [tilespmem:$0x13A0];
	_ =	sdelay $0x4  }
0x228: {  	v8 =	vshrl.u32 v7, $0x3  }
0x229: {  	v8 =	vmul.u32 $0x30, v8  }
0x22a: {  	v7 =	vand.u32 $0x7, v7  }
0x22b: {  	v7 =	vor.u32 v7, v8  }
0x22c: {  	v8 =	vperm.xlane v7, v4;
	_ =	sdelay $0x1  }
0x22d: {  	v8 =	vadd.s32 v5, v8;
	_ =	sdelay $0x3  }
0x22e: {  	v7 =	vperm.xlane v7, v6  }
0x22f: {  	[tilespmem:s21], [sflag:$0x3] =	stream.indirect_vreg.gather [hbm4b:s1+s4], $0x80, v8, vm0, $0xb8;
	[tilespmem:$0x19688] =	vst v63  }
0x230: {  	s6 =	simm.s32 $0x7C80;
	v7 =	vadd.s32 v5, v7  }
0x231: {  	[tilespmem:s6], [sflag:$0x3] =	stream.indirect_vreg.gather [hbm4b:s8+s4], $0x80, v8, vm0, $0xb8;
	[tilespmem:$0x19688] =	vst v63  }
0x232: {  	s7 =	simm.s32 $0x8480  }
0x233: {  	[tilespmem:s7], [sflag:$0x3] =	stream.indirect_vreg.gather [hbm4b:s10+s4], $0x80, v8, vm0, $0xb8;
	[tilespmem:$0x19688] =	vst v63  }
0x234: {  	s6 =	simm.s32 $0x8C80  }
0x235: {  	[tilespmem:s6], [sflag:$0x3] =	stream.indirect_vreg.gather [hbm4b:s1+s4], $0x80, v7, vm0, $0xb8;
	[tilespmem:$0x19688] =	vst v63  }
0x236: {  	s7 =	simm.s32 $0x9480  }
0x237: {  	[tilespmem:s7], [sflag:$0x3] =	stream.indirect_vreg.gather [hbm4b:s8+s4], $0x80, v7, vm0, $0xb8;
	[tilespmem:$0x19688] =	vst v63  }
0x238: {  	s6 =	simm.s32 $0x9C80  }
0x239: {  	[tilespmem:s6], [sflag:$0x3] =	stream.indirect_vreg.gather [hbm4b:s10+s4], $0x80, v7, vm0, $0xb8;
	[tilespmem:$0x19688] =	vst v63  }
0x23a: {  	v7 =	vld [tilespmem:$0x13B0];
	_ =	sdelay $0x4  }
0x23b: {  	v8 =	vshrl.u32 v7, $0x3  }
0x23c: {  	v8 =	vmul.u32 $0x30, v8  }
0x23d: {  	v7 =	vand.u32 $0x7, v7  }
0x23e: {  	v7 =	vor.u32 v7, v8  }
0x23f: {  	v8 =	vperm.xlane v7, v4;
	_ =	sdelay $0x1  }
0x240: {  	v8 =	vadd.s32 v5, v8;
	_ =	sdelay $0x3  }
0x241: {  	v7 =	vperm.xlane v7, v6  }
0x242: {  	[tilespmem:s24], [sflag:$0x3] =	stream.indirect_vreg.gather [hbm4b:s1+s4], $0x80, v8, vm0, $0xb8;
	[tilespmem:$0x19688] =	vst v63  }
0x243: {  	s7 =	simm.s32 $0xAC80;
	v7 =	vadd.s32 v5, v7  }
0x244: {  	[tilespmem:s7], [sflag:$0x3] =	stream.indirect_vreg.gather [hbm4b:s8+s4], $0x80, v8, vm0, $0xb8;
	[tilespmem:$0x19688] =	vst v63  }
0x245: {  	s6 =	simm.s32 $0xB480  }
0x246: {  	[tilespmem:s6], [sflag:$0x3] =	stream.indirect_vreg.gather [hbm4b:s10+s4], $0x80, v8, vm0, $0xb8;
	[tilespmem:$0x19688] =	vst v63  }
0x247: {  	s7 =	simm.s32 $0xBC80  }
0x248: {  	[tilespmem:s7], [sflag:$0x3] =	stream.indirect_vreg.gather [hbm4b:s1+s4], $0x80, v7, vm0, $0xb8;
	[tilespmem:$0x19688] =	vst v63  }
0x249: {  	_ = 	snop  }
0x24a: {  	[tilespmem:s19], [sflag:$0x3] =	stream.indirect_vreg.gather [hbm4b:s8+s4], $0x80, v7, vm0, $0xb8;
	[tilespmem:$0x19688] =	vst v63  }
0x24b: {  	_ = 	snop  }
0x24c: {  	[tilespmem:s9], [sflag:$0x3] =	stream.indirect_vreg.gather [hbm4b:s10+s4], $0x80, v7, vm0, $0xb8;
	[tilespmem:$0x19688] =	vst v63  }
0x24d: {  	_ =	swait.ge [sflag:s22], $0x6000  }
0x24e: {  	[sflag:s22] =	ssyncset.done $0x0  }
0x24f: {  	s3 =	simm.s32 $0xD480;
	s19 =	rddreg [dreg:$0xb];
	[sflag:s22] =	ssyncadd.s32 $0xFFFFA000  }
0x250: {  	[hbm4b:s19+s4] =	stream.linear.scatter [tilespmem:s3], [sflag:$0x8], $0x6000, $0x38;
	[tilespmem:$0x19688] =	vst v63  }
0x251: {  	_ =	swait.ge [sflag:s23], $0x6000  }
0x252: {  	[sflag:s23] =	ssyncset.done $0x0  }
0x253: {  	[sflag:s23] =	ssyncadd.s32 $0xFFFFA000  }
0x254: {  	v7 =	vld [tilespmem:$0x13C0];
	_ =	sdelay $0x4  }
0x255: {  	v8 =	vshrl.u32 v7, $0x3  }
0x256: {  	v8 =	vmul.u32 $0x30, v8  }
0x257: {  	v7 =	vand.u32 $0x7, v7  }
0x258: {  	v7 =	vor.u32 v7, v8  }
0x259: {  	v8 =	vperm.xlane v7, v4;
	_ =	sdelay $0x1  }
0x25a: {  	v8 =	vadd.s32 v5, v8;
	_ =	sdelay $0x3  }
0x25b: {  	v7 =	vperm.xlane v7, v6  }
0x25c: {  	[tilespmem:s3], [sflag:$0x4] =	stream.indirect_vreg.gather [hbm4b:s1+s4], $0x80, v8, vm0, $0xb8;
	[tilespmem:$0x19688] =	vst v63  }
0x25d: {  	v7 =	vadd.s32 v5, v7  }
0x25e: {  	[tilespmem:s31], [sflag:$0x4] =	stream.indirect_vreg.gather [hbm4b:s8+s4], $0x80, v8, vm0, $0xb8;
	[tilespmem:$0x19688] =	vst v63  }
0x25f: {  	_ = 	snop  }
0x260: {  	[tilespmem:s11], [sflag:$0x4] =	stream.indirect_vreg.gather [hbm4b:s10+s4], $0x80, v8, vm0, $0xb8;
	[tilespmem:$0x19688] =	vst v63  }
0x261: {  	_ = 	snop  }
0x262: {  	[tilespmem:s12], [sflag:$0x4] =	stream.indirect_vreg.gather [hbm4b:s1+s4], $0x80, v7, vm0, $0xb8;
	[tilespmem:$0x19688] =	vst v63  }
0x263: {  	_ = 	snop  }
0x264: {  	[tilespmem:s13], [sflag:$0x4] =	stream.indirect_vreg.gather [hbm4b:s8+s4], $0x80, v7, vm0, $0xb8;
	[tilespmem:$0x19688] =	vst v63  }
0x265: {  	s7 =	simm.s32 $0xFC80  }
0x266: {  	[tilespmem:s7], [sflag:$0x4] =	stream.indirect_vreg.gather [hbm4b:s10+s4], $0x80, v7, vm0, $0xb8;
	[tilespmem:$0x19688] =	vst v63  }
0x267: {  	v7 =	vld [tilespmem:$0x13D0];
	_ =	sdelay $0x4  }
0x268: {  	v8 =	vshrl.u32 v7, $0x3  }
0x269: {  	v8 =	vmul.u32 $0x30, v8  }
0x26a: {  	v7 =	vand.u32 $0x7, v7  }
0x26b: {  	v7 =	vor.u32 v7, v8  }
0x26c: {  	v8 =	vperm.xlane v7, v4;
	_ =	sdelay $0x1  }
0x26d: {  	v8 =	vadd.s32 v5, v8;
	_ =	sdelay $0x3  }
0x26e: {  	s9 =	simm.s32 $0x10480;
	v7 =	vperm.xlane v7, v6  }
0x26f: {  	[tilespmem:s9], [sflag:$0x4] =	stream.indirect_vreg.gather [hbm4b:s1+s4], $0x80, v8, vm0, $0xb8;
	[tilespmem:$0x19688] =	vst v63  }
0x270: {  	v7 =	vadd.s32 v5, v7  }
0x271: {  	[tilespmem:s14], [sflag:$0x4] =	stream.indirect_vreg.gather [hbm4b:s8+s4], $0x80, v8, vm0, $0xb8;
	[tilespmem:$0x19688] =	vst v63  }
0x272: {  	_ = 	snop  }
0x273: {  	[tilespmem:s15], [sflag:$0x4] =	stream.indirect_vreg.gather [hbm4b:s10+s4], $0x80, v8, vm0, $0xb8;
	[tilespmem:$0x19688] =	vst v63  }
0x274: {  	_ = 	snop  }
0x275: {  	[tilespmem:s29], [sflag:$0x4] =	stream.indirect_vreg.gather [hbm4b:s1+s4], $0x80, v7, vm0, $0xb8;
	[tilespmem:$0x19688] =	vst v63  }
0x276: {  	s6 =	simm.s32 $0x12480  }
0x277: {  	[tilespmem:s6], [sflag:$0x4] =	stream.indirect_vreg.gather [hbm4b:s8+s4], $0x80, v7, vm0, $0xb8;
	[tilespmem:$0x19688] =	vst v63  }
0x278: {  	s3 =	simm.s32 $0x12C80  }
0x279: {  	[tilespmem:s3], [sflag:$0x4] =	stream.indirect_vreg.gather [hbm4b:s10+s4], $0x80, v7, vm0, $0xb8;
	[tilespmem:$0x19688] =	vst v63  }
0x27a: {  	_ =	swait.ge [sflag:s25], $0x6000  }
0x27b: {  	[sflag:s25] =	ssyncset.done $0x0  }
0x27c: {  	s7 =	rddreg [dreg:$0xc];
	[sflag:s25] =	ssyncadd.s32 $0xFFFFA000  }
0x27d: {  	[hbm4b:s7+s4] =	stream.linear.scatter [tilespmem:s16], [sflag:$0x9], $0x6000, $0x38;
	[tilespmem:$0x19688] =	vst v63  }
0x27e: {  	_ =	swait.ge [sflag:s26], $0x6000  }
0x27f: {  	[sflag:s26] =	ssyncset.done $0x0  }
0x280: {  	[sflag:s26] =	ssyncadd.s32 $0xFFFFA000  }
0x281: {  	v7 =	vld [tilespmem:$0x13E0];
	_ =	sdelay $0x4  }
0x282: {  	v8 =	vshrl.u32 v7, $0x3  }
0x283: {  	v8 =	vmul.u32 $0x30, v8  }
0x284: {  	v7 =	vand.u32 $0x7, v7  }
0x285: {  	v7 =	vor.u32 v7, v8  }
0x286: {  	v8 =	vperm.xlane v7, v4;
	_ =	sdelay $0x1  }
0x287: {  	v8 =	vadd.s32 v5, v8;
	_ =	sdelay $0x3  }
0x288: {  	v7 =	vperm.xlane v7, v6  }
0x289: {  	[tilespmem:s16], [sflag:$0x5] =	stream.indirect_vreg.gather [hbm4b:s1+s4], $0x80, v8, vm0, $0xb8;
	[tilespmem:$0x19688] =	vst v63  }
0x28a: {  	s9 =	simm.s32 $0x13C80;
	v7 =	vadd.s32 v5, v7  }
0x28b: {  	[tilespmem:s9], [sflag:$0x5] =	stream.indirect_vreg.gather [hbm4b:s8+s4], $0x80, v8, vm0, $0xb8;
	[tilespmem:$0x19688] =	vst v63  }
0x28c: {  	s7 =	simm.s32 $0x14480  }
0x28d: {  	[tilespmem:s7], [sflag:$0x5] =	stream.indirect_vreg.gather [hbm4b:s10+s4], $0x80, v8, vm0, $0xb8;
	[tilespmem:$0x19688] =	vst v63  }
0x28e: {  	s9 =	simm.s32 $0x14C80  }
0x28f: {  	[tilespmem:s9], [sflag:$0x5] =	stream.indirect_vreg.gather [hbm4b:s1+s4], $0x80, v7, vm0, $0xb8;
	[tilespmem:$0x19688] =	vst v63  }
0x290: {  	s7 =	simm.s32 $0x15480  }
0x291: {  	[tilespmem:s7], [sflag:$0x5] =	stream.indirect_vreg.gather [hbm4b:s8+s4], $0x80, v7, vm0, $0xb8;
	[tilespmem:$0x19688] =	vst v63  }
0x292: {  	s9 =	simm.s32 $0x15C80  }
0x293: {  	[tilespmem:s9], [sflag:$0x5] =	stream.indirect_vreg.gather [hbm4b:s10+s4], $0x80, v7, vm0, $0xb8;
	[tilespmem:$0x19688] =	vst v63  }
0x294: {  	v7 =	vld [tilespmem:$0x13F0];
	_ =	sdelay $0x4  }
0x295: {  	v8 =	vshrl.u32 v7, $0x3  }
0x296: {  	v8 =	vmul.u32 $0x30, v8  }
0x297: {  	v7 =	vand.u32 $0x7, v7  }
0x298: {  	v7 =	vor.u32 v7, v8  }
0x299: {  	v8 =	vperm.xlane v7, v4;
	_ =	sdelay $0x1  }
0x29a: {  	v8 =	vadd.s32 v5, v8;
	_ =	sdelay $0x3  }
0x29b: {  	s7 =	simm.s32 $0x16480;
	v7 =	vperm.xlane v7, v6  }
0x29c: {  	[tilespmem:s7], [sflag:$0x5] =	stream.indirect_vreg.gather [hbm4b:s1+s4], $0x80, v8, vm0, $0xb8;
	[tilespmem:$0x19688] =	vst v63  }
0x29d: {  	s9 =	simm.s32 $0x16C80;
	v7 =	vadd.s32 v5, v7  }
0x29e: {  	[tilespmem:s9], [sflag:$0x5] =	stream.indirect_vreg.gather [hbm4b:s8+s4], $0x80, v8, vm0, $0xb8;
	[tilespmem:$0x19688] =	vst v63  }
0x29f: {  	s7 =	simm.s32 $0x17480  }
0x2a0: {  	[tilespmem:s7], [sflag:$0x5] =	stream.indirect_vreg.gather [hbm4b:s10+s4], $0x80, v8, vm0, $0xb8;
	[tilespmem:$0x19688] =	vst v63  }
0x2a1: {  	s9 =	simm.s32 $0x17C80  }
0x2a2: {  	[tilespmem:s9], [sflag:$0x5] =	stream.indirect_vreg.gather [hbm4b:s1+s4], $0x80, v7, vm0, $0xb8;
	[tilespmem:$0x19688] =	vst v63  }
0x2a3: {  	s7 =	simm.s32 $0x18480  }
0x2a4: {  	[tilespmem:s7], [sflag:$0x5] =	stream.indirect_vreg.gather [hbm4b:s8+s4], $0x80, v7, vm0, $0xb8;
	[tilespmem:$0x19688] =	vst v63  }
0x2a5: {  	s9 =	simm.s32 $0x18C80  }
0x2a6: {  	[tilespmem:s9], [sflag:$0x5] =	stream.indirect_vreg.gather [hbm4b:s10+s4], $0x80, v7, vm0, $0xb8;
	[tilespmem:$0x19688] =	vst v63  }
0x2a7: {  	_ =	swait.ge [sflag:s17], $0x6000  }
0x2a8: {  	[sflag:s17] =	ssyncset.done $0x0  }
0x2a9: {  	s9 =	simm.s32 $0x1480;
	s7 =	rddreg [dreg:$0xd];
	[sflag:s17] =	ssyncadd.s32 $0xFFFFA000  }
0x2aa: {  	[hbm4b:s7+s4] =	stream.linear.scatter [tilespmem:s9], [sflag:$0x6], $0x6000, $0x38;
	[tilespmem:$0x19688] =	vst v63  }
0x2ab: {  	_ =	swait.ge [sflag:s30], $0x6000  }
0x2ac: {  	[sflag:s30] =	ssyncset.done $0x0  }
0x2ad: {  	[sflag:s30] =	ssyncadd.s32 $0xFFFFA000  }
0x2ae: {  	v7 =	vld [tilespmem:$0x1400];
	_ =	sdelay $0x4  }
0x2af: {  	v8 =	vshrl.u32 v7, $0x3  }
0x2b0: {  	v8 =	vmul.u32 $0x30, v8  }
0x2b1: {  	v7 =	vand.u32 $0x7, v7  }
0x2b2: {  	v7 =	vor.u32 v7, v8  }
0x2b3: {  	v8 =	vperm.xlane v7, v4;
	_ =	sdelay $0x1  }
0x2b4: {  	v8 =	vadd.s32 v5, v8;
	_ =	sdelay $0x3  }
0x2b5: {  	v7 =	vperm.xlane v7, v6  }
0x2b6: {  	[tilespmem:s9], [sflag:$0x2] =	stream.indirect_vreg.gather [hbm4b:s1+s4], $0x80, v8, vm0, $0xb8;
	[tilespmem:$0x19688] =	vst v63  }
0x2b7: {  	s7 =	simm.s32 $0x1C80;
	v7 =	vadd.s32 v5, v7  }
0x2b8: {  	[tilespmem:s7], [sflag:$0x2] =	stream.indirect_vreg.gather [hbm4b:s8+s4], $0x80, v8, vm0, $0xb8;
	[tilespmem:$0x19688] =	vst v63  }
0x2b9: {  	s7 =	simm.s32 $0x2480  }
0x2ba: {  	[tilespmem:s7], [sflag:$0x2] =	stream.indirect_vreg.gather [hbm4b:s10+s4], $0x80, v8, vm0, $0xb8;
	[tilespmem:$0x19688] =	vst v63  }
0x2bb: {  	s7 =	simm.s32 $0x2C80  }
0x2bc: {  	[tilespmem:s7], [sflag:$0x2] =	stream.indirect_vreg.gather [hbm4b:s1+s4], $0x80, v7, vm0, $0xb8;
	[tilespmem:$0x19688] =	vst v63  }
0x2bd: {  	s7 =	simm.s32 $0x3480  }
0x2be: {  	[tilespmem:s7], [sflag:$0x2] =	stream.indirect_vreg.gather [hbm4b:s8+s4], $0x80, v7, vm0, $0xb8;
	[tilespmem:$0x19688] =	vst v63  }
0x2bf: {  	s6 =	simm.s32 $0x3C80  }
0x2c0: {  	[tilespmem:s6], [sflag:$0x2] =	stream.indirect_vreg.gather [hbm4b:s10+s4], $0x80, v7, vm0, $0xb8;
	[tilespmem:$0x19688] =	vst v63  }
0x2c1: {  	v7 =	vld [tilespmem:$0x1410];
	_ =	sdelay $0x4  }
0x2c2: {  	v8 =	vshrl.u32 v7, $0x3  }
0x2c3: {  	v8 =	vmul.u32 $0x30, v8  }
0x2c4: {  	v7 =	vand.u32 $0x7, v7  }
0x2c5: {  	v7 =	vor.u32 v7, v8  }
0x2c6: {  	v8 =	vperm.xlane v7, v4;
	_ =	sdelay $0x1  }
0x2c7: {  	v8 =	vadd.s32 v5, v8;
	_ =	sdelay $0x3  }
0x2c8: {  	s6 =	simm.s32 $0x4480;
	v7 =	vperm.xlane v7, v6  }
0x2c9: {  	[tilespmem:s6], [sflag:$0x2] =	stream.indirect_vreg.gather [hbm4b:s1+s4], $0x80, v8, vm0, $0xb8;
	[tilespmem:$0x19688] =	vst v63  }
0x2ca: {  	v7 =	vadd.s32 v5, v7;
	s6 =	simm.s32 $0x4C80  }
0x2cb: {  	[tilespmem:s6], [sflag:$0x2] =	stream.indirect_vreg.gather [hbm4b:s8+s4], $0x80, v8, vm0, $0xb8;
	[tilespmem:$0x19688] =	vst v63  }
0x2cc: {  	s5 =	simm.s32 $0x5480  }
0x2cd: {  	[tilespmem:s5], [sflag:$0x2] =	stream.indirect_vreg.gather [hbm4b:s10+s4], $0x80, v8, vm0, $0xb8;
	[tilespmem:$0x19688] =	vst v63  }
0x2ce: {  	s6 =	simm.s32 $0x5C80  }
0x2cf: {  	[tilespmem:s6], [sflag:$0x2] =	stream.indirect_vreg.gather [hbm4b:s1+s4], $0x80, v7, vm0, $0xb8;
	[tilespmem:$0x19688] =	vst v63  }
0x2d0: {  	s28 =	simm.s32 $0x6480  }
0x2d1: {  	[tilespmem:s28], [sflag:$0x2] =	stream.indirect_vreg.gather [hbm4b:s8+s4], $0x80, v7, vm0, $0xb8;
	[tilespmem:$0x19688] =	vst v63  }
0x2d2: {  	s28 =	simm.s32 $0x6C80  }
0x2d3: {  	[tilespmem:s28], [sflag:$0x2] =	stream.indirect_vreg.gather [hbm4b:s10+s4], $0x80, v7, vm0, $0xb8;
	[tilespmem:$0x19688] =	vst v63  }
0x2d4: {  	_ =	swait.ge [sflag:s18], $0x6000  }
0x2d5: {  	[sflag:s18] =	ssyncset.done $0x0  }
0x2d6: {  	s21 =	simm.s32 $0x7480;
	s28 =	rddreg [dreg:$0xe];
	[sflag:s18] =	ssyncadd.s32 $0xFFFFA000  }
0x2d7: {  	[hbm4b:s28+s4] =	stream.linear.scatter [tilespmem:s21], [sflag:$0x7], $0x6000, $0x38;
	[tilespmem:$0x19688] =	vst v63  }
0x2d8: {  	_ =	swait.ge [sflag:s20], $0x6000  }
0x2d9: {  	[sflag:s20] =	ssyncset.done $0x0  }
0x2da: {  	[sflag:s20] =	ssyncadd.s32 $0xFFFFA000  }
0x2db: {  	v7 =	vld [tilespmem:$0x1420];
	_ =	sdelay $0x4  }
0x2dc: {  	v8 =	vshrl.u32 v7, $0x3  }
0x2dd: {  	v8 =	vmul.u32 $0x30, v8  }
0x2de: {  	v7 =	vand.u32 $0x7, v7  }
0x2df: {  	v7 =	vor.u32 v7, v8  }
0x2e0: {  	v8 =	vperm.xlane v7, v4;
	_ =	sdelay $0x1  }
0x2e1: {  	v8 =	vadd.s32 v5, v8;
	_ =	sdelay $0x3  }
0x2e2: {  	v7 =	vperm.xlane v7, v6  }
0x2e3: {  	[tilespmem:s21], [sflag:$0x3] =	stream.indirect_vreg.gather [hbm4b:s1+s4], $0x80, v8, vm0, $0xb8;
	[tilespmem:$0x19688] =	vst v63  }
0x2e4: {  	s28 =	simm.s32 $0x7C80;
	v7 =	vadd.s32 v5, v7  }
0x2e5: {  	[tilespmem:s28], [sflag:$0x3] =	stream.indirect_vreg.gather [hbm4b:s8+s4], $0x80, v8, vm0, $0xb8;
	[tilespmem:$0x19688] =	vst v63  }
0x2e6: {  	s28 =	simm.s32 $0x8480  }
0x2e7: {  	[tilespmem:s28], [sflag:$0x3] =	stream.indirect_vreg.gather [hbm4b:s10+s4], $0x80, v8, vm0, $0xb8;
	[tilespmem:$0x19688] =	vst v63  }
0x2e8: {  	s28 =	simm.s32 $0x8C80  }
0x2e9: {  	[tilespmem:s28], [sflag:$0x3] =	stream.indirect_vreg.gather [hbm4b:s1+s4], $0x80, v7, vm0, $0xb8;
	[tilespmem:$0x19688] =	vst v63  }
0x2ea: {  	s28 =	simm.s32 $0x9480  }
0x2eb: {  	[tilespmem:s28], [sflag:$0x3] =	stream.indirect_vreg.gather [hbm4b:s8+s4], $0x80, v7, vm0, $0xb8;
	[tilespmem:$0x19688] =	vst v63  }
0x2ec: {  	s28 =	simm.s32 $0x9C80  }
0x2ed: {  	[tilespmem:s28], [sflag:$0x3] =	stream.indirect_vreg.gather [hbm4b:s10+s4], $0x80, v7, vm0, $0xb8;
	[tilespmem:$0x19688] =	vst v63  }
0x2ee: {  	v7 =	vld [tilespmem:$0x1430];
	_ =	sdelay $0x4  }
0x2ef: {  	v8 =	vshrl.u32 v7, $0x3  }
0x2f0: {  	v8 =	vmul.u32 $0x30, v8  }
0x2f1: {  	v7 =	vand.u32 $0x7, v7  }
0x2f2: {  	v7 =	vor.u32 v7, v8  }
0x2f3: {  	v8 =	vperm.xlane v7, v4;
	_ =	sdelay $0x1  }
0x2f4: {  	v8 =	vadd.s32 v5, v8;
	_ =	sdelay $0x3  }
0x2f5: {  	s24 =	simm.s32 $0xA480;
	v7 =	vperm.xlane v7, v6  }
0x2f6: {  	[tilespmem:s24], [sflag:$0x3] =	stream.indirect_vreg.gather [hbm4b:s1+s4], $0x80, v8, vm0, $0xb8;
	[tilespmem:$0x19688] =	vst v63  }
0x2f7: {  	v7 =	vadd.s32 v5, v7;
	s24 =	simm.s32 $0xAC80  }
0x2f8: {  	[tilespmem:s24], [sflag:$0x3] =	stream.indirect_vreg.gather [hbm4b:s8+s4], $0x80, v8, vm0, $0xb8;
	[tilespmem:$0x19688] =	vst v63  }
0x2f9: {  	s28 =	simm.s32 $0xB480  }
0x2fa: {  	[tilespmem:s28], [sflag:$0x3] =	stream.indirect_vreg.gather [hbm4b:s10+s4], $0x80, v8, vm0, $0xb8;
	[tilespmem:$0x19688] =	vst v63  }
0x2fb: {  	s24 =	simm.s32 $0xBC80  }
0x2fc: {  	[tilespmem:s24], [sflag:$0x3] =	stream.indirect_vreg.gather [hbm4b:s1+s4], $0x80, v7, vm0, $0xb8;
	[tilespmem:$0x19688] =	vst v63  }
0x2fd: {  	s28 =	simm.s32 $0xC480  }
0x2fe: {  	[tilespmem:s28], [sflag:$0x3] =	stream.indirect_vreg.gather [hbm4b:s8+s4], $0x80, v7, vm0, $0xb8;
	[tilespmem:$0x19688] =	vst v63  }
0x2ff: {  	s24 =	simm.s32 $0xCC80  }
0x300: {  	[tilespmem:s24], [sflag:$0x3] =	stream.indirect_vreg.gather [hbm4b:s10+s4], $0x80, v7, vm0, $0xb8;
	[tilespmem:$0x19688] =	vst v63  }
0x301: {  	_ =	swait.ge [sflag:s22], $0x6000  }
0x302: {  	[sflag:s22] =	ssyncset.done $0x0  }
0x303: {  	s19 =	simm.s32 $0xD480;
	s28 =	rddreg [dreg:$0xf];
	[sflag:s22] =	ssyncadd.s32 $0xFFFFA000  }
0x304: {  	[hbm4b:s28+s4] =	stream.linear.scatter [tilespmem:s19], [sflag:$0x8], $0x6000, $0x38;
	[tilespmem:$0x19688] =	vst v63  }
0x305: {  	_ =	swait.ge [sflag:s23], $0x6000  }
0x306: {  	[sflag:s23] =	ssyncset.done $0x0  }
0x307: {  	[sflag:s23] =	ssyncadd.s32 $0xFFFFA000  }
0x308: {  	v7 =	vld [tilespmem:$0x1440];
	_ =	sdelay $0x4  }
0x309: {  	v8 =	vshrl.u32 v7, $0x3  }
0x30a: {  	v8 =	vmul.u32 $0x30, v8  }
0x30b: {  	v7 =	vand.u32 $0x7, v7  }
0x30c: {  	v7 =	vor.u32 v7, v8  }
0x30d: {  	v8 =	vperm.xlane v7, v4;
	_ =	sdelay $0x1  }
0x30e: {  	v8 =	vadd.s32 v5, v8;
	_ =	sdelay $0x3  }
0x30f: {  	v7 =	vperm.xlane v7, v6  }
0x310: {  	[tilespmem:s19], [sflag:$0x4] =	stream.indirect_vreg.gather [hbm4b:s1+s4], $0x80, v8, vm0, $0xb8;
	[tilespmem:$0x19688] =	vst v63  }
0x311: {  	s31 =	simm.s32 $0xDC80;
	v7 =	vadd.s32 v5, v7  }
0x312: {  	[tilespmem:s31], [sflag:$0x4] =	stream.indirect_vreg.gather [hbm4b:s8+s4], $0x80, v8, vm0, $0xb8;
	[tilespmem:$0x19688] =	vst v63  }
0x313: {  	s11 =	simm.s32 $0xE480  }
0x314: {  	[tilespmem:s11], [sflag:$0x4] =	stream.indirect_vreg.gather [hbm4b:s10+s4], $0x80, v8, vm0, $0xb8;
	[tilespmem:$0x19688] =	vst v63  }
0x315: {  	s12 =	simm.s32 $0xEC80  }
0x316: {  	[tilespmem:s12], [sflag:$0x4] =	stream.indirect_vreg.gather [hbm4b:s1+s4], $0x80, v7, vm0, $0xb8;
	[tilespmem:$0x19688] =	vst v63  }
0x317: {  	s13 =	simm.s32 $0xF480  }
0x318: {  	[tilespmem:s13], [sflag:$0x4] =	stream.indirect_vreg.gather [hbm4b:s8+s4], $0x80, v7, vm0, $0xb8;
	[tilespmem:$0x19688] =	vst v63  }
0x319: {  	s31 =	simm.s32 $0xFC80  }
0x31a: {  	[tilespmem:s31], [sflag:$0x4] =	stream.indirect_vreg.gather [hbm4b:s10+s4], $0x80, v7, vm0, $0xb8;
	[tilespmem:$0x19688] =	vst v63  }
0x31b: {  	v7 =	vld [tilespmem:$0x1450];
	_ =	sdelay $0x4  }
0x31c: {  	v8 =	vshrl.u32 v7, $0x3  }
0x31d: {  	v8 =	vmul.u32 $0x30, v8  }
0x31e: {  	v7 =	vand.u32 $0x7, v7  }
0x31f: {  	v7 =	vor.u32 v7, v8  }
0x320: {  	v8 =	vperm.xlane v7, v4;
	_ =	sdelay $0x1  }
0x321: {  	v8 =	vadd.s32 v5, v8;
	_ =	sdelay $0x3  }
0x322: {  	s11 =	simm.s32 $0x10480;
	v7 =	vperm.xlane v7, v6  }
0x323: {  	[tilespmem:s11], [sflag:$0x4] =	stream.indirect_vreg.gather [hbm4b:s1+s4], $0x80, v8, vm0, $0xb8;
	[tilespmem:$0x19688] =	vst v63  }
0x324: {  	s14 =	simm.s32 $0x10C80;
	v7 =	vadd.s32 v5, v7  }
0x325: {  	[tilespmem:s14], [sflag:$0x4] =	stream.indirect_vreg.gather [hbm4b:s8+s4], $0x80, v8, vm0, $0xb8;
	[tilespmem:$0x19688] =	vst v63  }
0x326: {  	s15 =	simm.s32 $0x11480  }
0x327: {  	[tilespmem:s15], [sflag:$0x4] =	stream.indirect_vreg.gather [hbm4b:s10+s4], $0x80, v8, vm0, $0xb8;
	[tilespmem:$0x19688] =	vst v63  }
0x328: {  	s29 =	simm.s32 $0x11C80  }
0x329: {  	[tilespmem:s29], [sflag:$0x4] =	stream.indirect_vreg.gather [hbm4b:s1+s4], $0x80, v7, vm0, $0xb8;
	[tilespmem:$0x19688] =	vst v63  }
0x32a: {  	s12 =	simm.s32 $0x12480  }
0x32b: {  	[tilespmem:s12], [sflag:$0x4] =	stream.indirect_vreg.gather [hbm4b:s8+s4], $0x80, v7, vm0, $0xb8;
	[tilespmem:$0x19688] =	vst v63  }
0x32c: {  	_ = 	snop  }
0x32d: {  	[tilespmem:s3], [sflag:$0x4] =	stream.indirect_vreg.gather [hbm4b:s10+s4], $0x80, v7, vm0, $0xb8;
	[tilespmem:$0x19688] =	vst v63  }
0x32e: {  	_ =	swait.ge [sflag:s25], $0x6000  }
0x32f: {  	[sflag:s25] =	ssyncset.done $0x0  }
0x330: {  	s13 =	rddreg [dreg:$0x10];
	[sflag:s25] =	ssyncadd.s32 $0xFFFFA000  }
0x331: {  	[hbm4b:s13+s4] =	stream.linear.scatter [tilespmem:s16], [sflag:$0x9], $0x6000, $0x38;
	[tilespmem:$0x19688] =	vst v63  }
0x332: {  	_ =	swait.ge [sflag:s26], $0x6000  }
0x333: {  	[sflag:s26] =	ssyncset.done $0x0  }
0x334: {  	[sflag:s26] =	ssyncadd.s32 $0xFFFFA000  }
0x335: {  	v7 =	vld [tilespmem:$0x1460];
	_ =	sdelay $0x4  }
0x336: {  	v8 =	vshrl.u32 v7, $0x3  }
0x337: {  	v8 =	vmul.u32 $0x30, v8  }
0x338: {  	v7 =	vand.u32 $0x7, v7  }
0x339: {  	v7 =	vor.u32 v7, v8  }
0x33a: {  	v8 =	vperm.xlane v7, v4;
	_ =	sdelay $0x1  }
0x33b: {  	v8 =	vadd.s32 v5, v8;
	_ =	sdelay $0x3  }
0x33c: {  	v7 =	vperm.xlane v7, v6  }
0x33d: {  	[tilespmem:s16], [sflag:$0x5] =	stream.indirect_vreg.gather [hbm4b:s1+s4], $0x80, v8, vm0, $0xb8;
	[tilespmem:$0x19688] =	vst v63  }
0x33e: {  	s14 =	simm.s32 $0x13C80;
	v7 =	vadd.s32 v5, v7  }
0x33f: {  	[tilespmem:s14], [sflag:$0x5] =	stream.indirect_vreg.gather [hbm4b:s8+s4], $0x80, v8, vm0, $0xb8;
	[tilespmem:$0x19688] =	vst v63  }
0x340: {  	s15 =	simm.s32 $0x14480  }
0x341: {  	[tilespmem:s15], [sflag:$0x5] =	stream.indirect_vreg.gather [hbm4b:s10+s4], $0x80, v8, vm0, $0xb8;
	[tilespmem:$0x19688] =	vst v63  }
0x342: {  	s24 =	simm.s32 $0x14C80  }
0x343: {  	[tilespmem:s24], [sflag:$0x5] =	stream.indirect_vreg.gather [hbm4b:s1+s4], $0x80, v7, vm0, $0xb8;
	[tilespmem:$0x19688] =	vst v63  }
0x344: {  	s28 =	simm.s32 $0x15480  }
0x345: {  	[tilespmem:s28], [sflag:$0x5] =	stream.indirect_vreg.gather [hbm4b:s8+s4], $0x80, v7, vm0, $0xb8;
	[tilespmem:$0x19688] =	vst v63  }
0x346: {  	s29 =	simm.s32 $0x15C80  }
0x347: {  	[tilespmem:s29], [sflag:$0x5] =	stream.indirect_vreg.gather [hbm4b:s10+s4], $0x80, v7, vm0, $0xb8;
	[tilespmem:$0x19688] =	vst v63  }
0x348: {  	v7 =	vld [tilespmem:$0x1470];
	_ =	sdelay $0x4  }
0x349: {  	v8 =	vshrl.u32 v7, $0x3  }
0x34a: {  	v8 =	vmul.u32 $0x30, v8  }
0x34b: {  	v7 =	vand.u32 $0x7, v7  }
0x34c: {  	v7 =	vor.u32 v7, v8  }
0x34d: {  	v8 =	vperm.xlane v7, v4;
	_ =	sdelay $0x1  }
0x34e: {  	v8 =	vadd.s32 v5, v8;
	_ =	sdelay $0x3  }
0x34f: {  	s31 =	simm.s32 $0x16480;
	v7 =	vperm.xlane v7, v6  }
0x350: {  	[tilespmem:s31], [sflag:$0x5] =	stream.indirect_vreg.gather [hbm4b:s1+s4], $0x80, v8, vm0, $0xb8;
	[tilespmem:$0x19688] =	vst v63  }
0x351: {  	s6 =	simm.s32 $0x16C80;
	v7 =	vadd.s32 v5, v7  }
0x352: {  	[tilespmem:s6], [sflag:$0x5] =	stream.indirect_vreg.gather [hbm4b:s8+s4], $0x80, v8, vm0, $0xb8;
	[tilespmem:$0x19688] =	vst v63  }
0x353: {  	s11 =	simm.s32 $0x17480  }
0x354: {  	[tilespmem:s11], [sflag:$0x5] =	stream.indirect_vreg.gather [hbm4b:s10+s4], $0x80, v8, vm0, $0xb8;
	[tilespmem:$0x19688] =	vst v63  }
0x355: {  	s12 =	simm.s32 $0x17C80  }
0x356: {  	[tilespmem:s12], [sflag:$0x5] =	stream.indirect_vreg.gather [hbm4b:s1+s4], $0x80, v7, vm0, $0xb8;
	[tilespmem:$0x19688] =	vst v63  }
0x357: {  	s13 =	simm.s32 $0x18480  }
0x358: {  	[tilespmem:s13], [sflag:$0x5] =	stream.indirect_vreg.gather [hbm4b:s8+s4], $0x80, v7, vm0, $0xb8;
	[tilespmem:$0x19688] =	vst v63  }
0x359: {  	s14 =	simm.s32 $0x18C80  }
0x35a: {  	[tilespmem:s14], [sflag:$0x5] =	stream.indirect_vreg.gather [hbm4b:s10+s4], $0x80, v7, vm0, $0xb8;
	[tilespmem:$0x19688] =	vst v63  }
0x35b: {  	_ =	swait.ge [sflag:s17], $0x6000  }
0x35c: {  	[sflag:s17] =	ssyncset.done $0x0  }
0x35d: {  	s9 =	simm.s32 $0x1480;
	s15 =	rddreg [dreg:$0x11];
	[sflag:s17] =	ssyncadd.s32 $0xFFFFA000  }
0x35e: {  	[hbm4b:s15+s4] =	stream.linear.scatter [tilespmem:s9], [sflag:$0x6], $0x6000, $0x38;
	[tilespmem:$0x19688] =	vst v63  }
0x35f: {  	_ =	swait.ge [sflag:s18], $0x6000  }
0x360: {  	[sflag:s18] =	ssyncset.done $0x0  }
0x361: {  	[sflag:s18] =	ssyncadd.s32 $0xFFFFA000;
	s18 =	rddreg [dreg:$0x12]  }
0x362: {  	[hbm4b:s18+s4] =	stream.linear.scatter [tilespmem:s21], [sflag:$0x7], $0x6000, $0x38;
	[tilespmem:$0x19688] =	vst v63  }
0x363: {  	_ =	swait.ge [sflag:s22], $0x6000  }
0x364: {  	[sflag:s22] =	ssyncset.done $0x0  }
0x365: {  	s24 =	rddreg [dreg:$0x14];
	[sflag:s22] =	ssyncadd.s32 $0xFFFFA000  }
0x366: {  	[hbm4b:s24+s4] =	stream.linear.scatter [tilespmem:s19], [sflag:$0x8], $0x6000, $0x38;
	[tilespmem:$0x19688] =	vst v63  }
0x367: {  	_ =	swait.ge [sflag:s25], $0x6000  }
0x368: {  	[sflag:s25] =	ssyncset.done $0x0  }
0x369: {  	s28 =	rddreg [dreg:$0x15];
	[sflag:s25] =	ssyncadd.s32 $0xFFFFA000  }
0x36a: {  	[hbm4b:s28+s4] =	stream.linear.scatter [tilespmem:s16], [sflag:$0x9], $0x6000, $0x38;
	[tilespmem:$0x19688] =	vst v63  }
0x36b: {  	_ =	swait.ge [sflag:s30], $0x6000  }
0x36c: {  	[sflag:s30] =	ssyncset.done $0x0  }
0x36d: {  	[sflag:s30] =	ssyncadd.s32 $0xFFFFA000  }
0x36e: {  	_ =	swait.ge [sflag:s20], $0x6000  }
0x36f: {  	[sflag:s20] =	ssyncset.done $0x0  }
0x370: {  	[sflag:s20] =	ssyncadd.s32 $0xFFFFA000  }
0x371: {  	_ =	swait.ge [sflag:s23], $0x6000  }
0x372: {  	[sflag:s23] =	ssyncset.done $0x0  }
0x373: {  	[sflag:s23] =	ssyncadd.s32 $0xFFFFA000  }
0x374: {  	_ =	swait.ge [sflag:s26], $0x6000  }
0x375: {  	s29 =	rddreg [dreg:$0x1a]  }
0x376: {  	s31 =	rddreg [dreg:$0x16];
	s3 =	sadd.s32 $0x1, s29  }
0x377: {  	p0 =	sne.s32 s3, s31  }
.Ltmp2:
0x378: {  	_ = 	snop;
	(pc) =	sbr.rel @p0 .LBB2_1-.Ltmp2, $3  }
0x379: {  	_ =	sdelay $0x1  }
0x37a: {  	[sflag:s26] =	ssyncset.done $0x0  }
0x37b: {  	s7 =	simm.s32 $0x80;
	s5 =	simm.s32 $0xA;
	[sflag:s26] =	ssyncadd.s32 $0xFFFFA000  }
0x37c: {  	_ =	sfence.sel $0x180000  }
0x37d: {  	[bflag:$0x0] =	sbarrier.arrive $0xFFFF  }
0x37e: {  	_ =	strace $0x90000047  }
0x37f: {  	s0 =	stileid.u32;
	[bflag:$0x2] =	sbarrier.arrive $0xFFFF  }
0x380: {  	p0 =	sne.s32 s0, $0x0;
	s0 =	rddreg [dreg:$0x4]  }
0x381: {  	s0 =	sadd.s32 @!p0 $0x100000, s0  }
0x382: {  	[sflag:s0] =	ssyncadd.tile.s32 @!p0 $0x1;
	_ =	shalt  }
.Lfunc_end2:
_tile_overlayer_lowered:
.L_overlay_start_2:
0x383: {  	(tag) =	ssettag $0x2  }
0x384: {  	s0 =	rddreg [dreg:$0x0];
	s2 =	stileid.u32  }
0x385: {  	s1 =	rddreg [dreg:$0x1];
	p0 =	sne.s32 s2, $0x0  }
0x386: {  	s3 =	rddreg [dreg:$0x2];
	[bflag:$0x3] =	sbarrier.arrive $0xFFFF;
	s2 =	simm.s32 @!p0 $0x1C0A  }
0x387: {  	[timem:s3], [sflag:s2] =	dma.local @!p0 [hbm:s0], s1  }
0x388: {  	s0 =	simm.s32 @!p0 $0xA  }
0x389: {  	_ =	swait.ge @!p0 [sflag:s0], s1  }
0x38a: {  	s1 =	ssub.s32 @!p0 $0x0, s1;
	[sflag:s0] =	ssyncset.done @!p0 $0x0  }
0x38b: {  	[sflag:s0] =	ssyncadd.s32 @!p0 s1  }
0x38c: {  	[bflag:$0x3] =	sbarrier.arrive $0xFFFF  }
0x38d: {  	_ =	shalt  }

</sc_bundles>
